<compile_context>
chip_gen: v7x
topology: tpu7x:2x2x1
jax: 0.10.2.dev20260603
libtpu: 0.0.44.dev20260713+nightly
codegen_flags: <defaults>
</compile_context>

<pallas_src>
import functools

import jax
import jax.numpy as jnp
import numpy as np
from jax import lax
from jax.experimental import pallas as pl
from jax.experimental.pallas import tpu as pltpu

B = 4
N = 2048
MLP = 32
RADIUS = [0.2, 0.4, 0.8]
NN_UP = [32, 32, 32]
NUM_SAMPLE = [4, 4, 4]
CHANNELS = [[64, 64], [128, 128], [128, 128]]
KERNEL = (8, 2, 2)
BIN_SIZE = 33
G_KERNEL = (8, 2, 1)
G_BIN = 17
GLOBAL_RADIUS = 100.0


def _bgather(t, idx):
    return jax.vmap(lambda a, i: a[i])(t, idx)


def _bn(x, gamma, beta, axes):
    m = x.mean(axis=axes, keepdims=True)
    v = x.var(axis=axes, keepdims=True)
    return (x - m) / jnp.sqrt(v + 1e-5) * gamma + beta


_GRAPH_MODE = "jax_highest"
_PALLAS_LAYERS = ()


def _build_graph(xyz, radius, K, num_sample):
    sq = jnp.sum(xyz * xyz, axis=-1)
    d2 = sq[:, :, None] + sq[:, None, :] - 2.0 * jnp.einsum('bnd,bmd->bnm', xyz, xyz)
    d2 = jnp.maximum(d2, 0.0)
    masked = jnp.where(d2 <= radius * radius, d2, jnp.inf)
    negvals, idx = lax.top_k(-masked, K)
    d2k = -negvals
    valid = jnp.isfinite(d2k)
    cnt = valid.sum(axis=-1).astype(jnp.int32)
    idx = jnp.where(valid, idx, 0)
    dst = jnp.sqrt(jnp.maximum(jnp.where(valid, d2k, 0.0), 1e-12))
    m = xyz.shape[1] // num_sample
    samp = jnp.broadcast_to(jnp.arange(m) * num_sample, (xyz.shape[0], m))
    return idx, cnt, dst, samp


def _spherical_kernel(database, query, nn_idx, nn_cnt, nn_dst, radius, kernel):
    nbr = _bgather(database, nn_idx)
    delta = nbr - query[:, :, None, :]
    dist = nn_dst
    nA, nP, nR = kernel
    azim = jnp.arctan2(delta[..., 1], delta[..., 0])
    a_bin = jnp.clip(jnp.floor((azim + np.pi) / (2.0 * np.pi) * nA), 0, nA - 1).astype(jnp.int32)
    pol = jnp.arccos(jnp.clip(delta[..., 2] / jnp.maximum(dist, 1e-9), -1.0, 1.0))
    p_bin = jnp.clip(jnp.floor(pol / np.pi * nP), 0, nP - 1).astype(jnp.int32)
    r_bin = jnp.clip(jnp.floor(dist / radius * nR), 0, nR - 1).astype(jnp.int32)
    bins = a_bin * (nP * nR) + p_bin * nR + r_bin
    bin_size = nA * nP * nR + 1
    bins = jnp.where(dist < 1e-4, bin_size - 1, bins)
    return bins


def _sep_conv(net, nn_idx, nn_cnt, filt_idx, p):
    nbr = _bgather(net, nn_idx)
    w = p['Wd'][filt_idx]
    Kn = nn_idx.shape[2]
    mask = (jnp.arange(Kn)[None, None, :] < nn_cnt[:, :, None]).astype(net.dtype)
    depth = jnp.einsum('bmkc,bmkcu,bmk->bmcu', nbr, w, mask)
    b, m = depth.shape[0], depth.shape[1]
    x = depth.reshape(b, m, -1) @ p['Wp']
    x = _bn(x, p['gamma'], p['beta'], (0, 1))
    return jax.nn.relu(x)


def _pool3d(net, idx, cnt):
    nbr = _bgather(net, idx)
    Kn = idx.shape[2]
    mask = jnp.arange(Kn)[None, None, :, None] < cnt[:, :, None, None]
    return jnp.max(jnp.where(mask, nbr, -jnp.inf), axis=2)



_BIG = 1e30


def _graph_body(K, radius, nA, nP, nR, rows_ref, all_ref, brows_ref, ball_ref,
                sqrows_ref, sqall_ref, idx_ref, cnt_ref, dst_ref, bins_ref):
    rows = rows_ref[0]
    alls = all_ref[0]
    M = rows.shape[0]
    Np = alls.shape[0]
    sq_rows = sqrows_ref[0]
    sq_all = sqall_ref[0]
    dot = lax.dot_general(brows_ref[0], ball_ref[0],
                          (((1,), (1,)), ((), ())),
                          preferred_element_type=jnp.float32)
    d2 = jnp.maximum(sq_rows + sq_all - 2.0 * dot, 0.0)
    work = jnp.where(d2 <= radius * radius, d2, _BIG)
    iota_n = lax.broadcasted_iota(jnp.int32, (M, Np), 1)
    iota_k = lax.broadcasted_iota(jnp.int32, (M, K), 1)
    vals = jnp.zeros((M, K), jnp.float32)
    idxs = jnp.zeros((M, K), jnp.int32)
    dx = jnp.zeros((M, K), jnp.float32)
    dy = jnp.zeros((M, K), jnp.float32)
    dz = jnp.zeros((M, K), jnp.float32)
    ax_ = alls[:, 0:1].T
    ay_ = alls[:, 1:2].T
    az_ = alls[:, 2:3].T
    for k in range(K):
        v = jnp.min(work, axis=1, keepdims=True)
        eq = work == v
        a = jnp.min(jnp.where(eq, iota_n, Np), axis=1, keepdims=True)
        oh = iota_n == a
        ohf = oh.astype(jnp.float32)
        nx = jnp.sum(ohf * ax_, axis=1, keepdims=True)
        ny = jnp.sum(ohf * ay_, axis=1, keepdims=True)
        nz = jnp.sum(ohf * az_, axis=1, keepdims=True)
        work = jnp.where(oh, _BIG, work)
        sel = iota_k == k
        vals = jnp.where(sel, v, vals)
        idxs = jnp.where(sel, a, idxs)
        dx = jnp.where(sel, nx - rows[:, 0:1], dx)
        dy = jnp.where(sel, ny - rows[:, 1:2], dy)
        dz = jnp.where(sel, nz - rows[:, 2:3], dz)
    valid = vals < (_BIG * 0.5)
    cnt_ref[0] = jnp.sum(valid.astype(jnp.int32), axis=1, keepdims=True)
    d2k = jnp.where(valid, vals, 0.0)
    dst = jnp.sqrt(jnp.maximum(d2k, 1e-12))
    dst_ref[0] = dst
    idx_ref[0] = jnp.where(valid, idxs, 0)
    ax, ay = jnp.abs(dx), jnp.abs(dy)
    neg = (
        jnp.where((dx < 0) & (ay >= ax), 1, 0)
        + jnp.where((dx >= 0) & (ay > ax), 2, 0)
        + jnp.where((dx > 0) & (ay <= ax), 3, 0)
    )
    pos = (
        jnp.where((dx > 0) & (ay < ax), 4, 0)
        + jnp.where((dx > 0) & (ay >= ax), 5, 0)
        + jnp.where((dx <= 0) & (ay > ax), 6, 0)
        + jnp.where((dx < 0) & (ay <= ax), 7, 0)
    )
    a_bin = jnp.where(dy < 0, neg, jnp.where((dx == 0) & (dy == 0), 4, pos))
    p_bin = jnp.where(dz > 0, 0, 1)
    r_bin = jnp.clip(jnp.floor(dst / radius * nR).astype(jnp.int32), 0, nR - 1)
    bins = a_bin * (nP * nR) + p_bin * nR + r_bin
    bins_ref[0] = jnp.where(dst < 1e-4, nA * nP * nR, bins)


def _graph_pallas(xyz, radius, K):
    b, n, _ = xyz.shape
    m = min(n, 256)
    nblk = n // m
    grid = (b, nblk)
    body = functools.partial(_graph_body, K, radius, 8, 2, 2)
    xb = xyz.astype(jnp.bfloat16)
    sq = jnp.sum(xyz * xyz, axis=-1)
    sq_c = sq[:, :, None]
    sq_r = sq[:, None, :]
    kvec = lambda: pl.BlockSpec((1, m, K), lambda bi, i: (bi, i, 0))
    idx, cnt, dst, bins = pl.pallas_call(
        body,
        grid=grid,
        in_specs=[
            pl.BlockSpec((1, m, 3), lambda bi, i: (bi, i, 0)),
            pl.BlockSpec((1, n, 3), lambda bi, i: (bi, 0, 0)),
            pl.BlockSpec((1, m, 3), lambda bi, i: (bi, i, 0)),
            pl.BlockSpec((1, n, 3), lambda bi, i: (bi, 0, 0)),
            pl.BlockSpec((1, m, 1), lambda bi, i: (bi, i, 0)),
            pl.BlockSpec((1, 1, n), lambda bi, i: (bi, 0, 0)),
        ],
        out_specs=[
            kvec(),
            pl.BlockSpec((1, m, 1), lambda bi, i: (bi, i, 0)),
            kvec(),
            kvec(),
        ],
        out_shape=[
            jax.ShapeDtypeStruct((b, n, K), jnp.int32),
            jax.ShapeDtypeStruct((b, n, 1), jnp.int32),
            jax.ShapeDtypeStruct((b, n, K), jnp.float32),
            jax.ShapeDtypeStruct((b, n, K), jnp.int32),
        ],
    )(xyz, xyz, xb, xb, sq_c, sq_r)
    return idx, cnt[:, :, 0], dst, bins




def _conv_body(K, U, net_ref, idx_ref, cnt_ref, bins_ref, wd_refs, wp_ref,
               x_ref):
    net = net_ref[0]
    idxb = idx_ref[0]
    cnt = cnt_ref[0]
    bins = bins_ref[0]
    M = idxb.shape[0]
    Np = net.shape[0]
    C = net.shape[1]
    iota_n = lax.broadcasted_iota(jnp.int32, (M, Np), 1)
    iota_b = lax.broadcasted_iota(jnp.int32, (M, BIN_SIZE), 1)
    depth = [jnp.zeros((M, C), jnp.float32) for _ in range(U)]
    for k in range(K):
        a = idxb[:, k:k + 1]
        bn_ = bins[:, k:k + 1]
        oh = (iota_n == a).astype(jnp.float32)
        gathered = jnp.dot(oh, net, preferred_element_type=jnp.float32)
        ohb = (iota_b == bn_).astype(jnp.float32)
        mk = (cnt > k).astype(jnp.float32)
        gm = gathered * mk
        for u in range(U):
            wsel = jnp.dot(ohb, wd_refs[u][...],
                           preferred_element_type=jnp.float32)
            depth[u] = depth[u] + gm * wsel
    x = jnp.concatenate(depth, axis=1)
    x_ref[0] = jnp.dot(x, wp_ref[...], preferred_element_type=jnp.float32)


def _sep_conv_pallas(net, idx, cnt, bins, p):
    b, n, C = net.shape
    K = idx.shape[2]
    Wd, Wp = p['Wd'], p['Wp']
    U = Wd.shape[2]
    Cout = Wp.shape[1]
    m = min(n, 256)
    grid = (b, n // m)
    wds = [jnp.asarray(Wd[:, :, u]) for u in range(U)]
    W = Wp.reshape(C, U, Cout).transpose(1, 0, 2).reshape(U * C, Cout)
    body = functools.partial(_conv_body, K, U)

    def wrapped(net_r, idx_r, cnt_r, bins_r, *rest):
        wd_refs = rest[:U]
        wp_ref, x_ref = rest[U], rest[U + 1]
        body(net_r, idx_r, cnt_r, bins_r, wd_refs, wp_ref, x_ref)

    x = pl.pallas_call(
        wrapped,
        grid=grid,
        in_specs=[
            pl.BlockSpec((1, n, C), lambda bi, i: (bi, 0, 0)),
            pl.BlockSpec((1, m, K), lambda bi, i: (bi, i, 0)),
            pl.BlockSpec((1, m, 1), lambda bi, i: (bi, i, 0)),
            pl.BlockSpec((1, m, K), lambda bi, i: (bi, i, 0)),
        ] + [pl.BlockSpec((BIN_SIZE, C), lambda bi, i: (0, 0))] * U + [
            pl.BlockSpec((U * C, Cout), lambda bi, i: (0, 0)),
        ],
        out_specs=pl.BlockSpec((1, m, Cout), lambda bi, i: (bi, i, 0)),
        out_shape=jax.ShapeDtypeStruct((b, n, Cout), jnp.float32),
    )(net, idx, cnt[:, :, None], bins, *wds, W)
    x = _bn(x, p['gamma'], p['beta'], (0, 1))
    return jax.nn.relu(x)




def _pool_body(K, net_ref, idx_ref, cnt_ref, out_ref):
    net = net_ref[0]
    idxb = idx_ref[0]
    cnt = cnt_ref[0]
    M = idxb.shape[0]
    Np = net.shape[0]
    C = net.shape[1]
    iota_n = lax.broadcasted_iota(jnp.int32, (M, Np), 1)
    acc = jnp.full((M, C), -jnp.inf, jnp.float32)
    for k in range(K):
        a = idxb[:, k:k + 1]
        oh = (iota_n == a).astype(jnp.float32)
        gathered = jnp.dot(oh, net, preferred_element_type=jnp.float32)
        mk = cnt > k
        acc = jnp.where(mk & (gathered > acc), gathered, acc)
    out_ref[0] = acc


def _pool3d_pallas(net, idx, cnt):
    net, idx, cnt = lax.optimization_barrier((net, idx, cnt))
    b, n, C = net.shape
    ns = idx.shape[1]
    K = idx.shape[2]
    m = min(ns, 256)
    grid = (b, ns // m)
    x = pl.pallas_call(
        functools.partial(_pool_body, K),
        grid=grid,
        in_specs=[
            pl.BlockSpec((1, n, C), lambda bi, i: (bi, 0, 0)),
            pl.BlockSpec((1, m, K), lambda bi, i: (bi, i, 0)),
            pl.BlockSpec((1, m, 1), lambda bi, i: (bi, i, 0)),
        ],
        out_specs=pl.BlockSpec((1, m, C), lambda bi, i: (bi, i, 0)),
        out_shape=jax.ShapeDtypeStruct((b, ns, C), jnp.float32),
    )(net, idx, cnt[:, :, None])
    return x



def _cls_body(y_ref, w1_ref, g1_ref, b1_ref, w2_ref, g2_ref, b2_ref,
              w3_ref, b3_ref, out_ref):
    y = y_ref[...]
    h = jnp.dot(y, w1_ref[...], preferred_element_type=jnp.float32)
    m = h.mean(axis=0, keepdims=True)
    v = ((h - m) ** 2).mean(axis=0, keepdims=True)
    h = (h - m) / jnp.sqrt(v + 1e-5) * g1_ref[...] + b1_ref[...]
    h = jnp.maximum(h, 0.0)
    h2 = jnp.dot(h, w2_ref[...], preferred_element_type=jnp.float32)
    m2 = h2.mean(axis=0, keepdims=True)
    v2 = ((h2 - m2) ** 2).mean(axis=0, keepdims=True)
    h2 = (h2 - m2) / jnp.sqrt(v2 + 1e-5) * g2_ref[...] + b2_ref[...]
    h2 = jnp.maximum(h2, 0.0)
    out_ref[...] = jnp.dot(h2, w3_ref[...], preferred_element_type=jnp.float32) + b3_ref[...]


def _cls_head(y, c):
    return pl.pallas_call(
        _cls_body,
        out_shape=jax.ShapeDtypeStruct((y.shape[0], c['W3'].shape[1]), jnp.float32),
    )(y, c['W1'], c['g1'][None, :], c['b1'][None, :],
      c['W2'], c['g2'][None, :], c['b2'][None, :],
      c['W3'], c['b3'][None, :])


def kernel(point_cloud, params):
    pc = jnp.transpose(point_cloud, (0, 2, 1))
    pc = pc - pc.mean(axis=1, keepdims=True)
    scale = jnp.sqrt(jnp.max(jnp.sum(pc * pc, axis=-1, keepdims=True), axis=1, keepdims=True))
    pc = pc / scale
    xyz = pc
    query = xyz.mean(axis=1, keepdims=True)
    net = jax.nn.relu(_bn(xyz @ params['fc1']['W'], params['fc1']['gamma'], params['fc1']['beta'], (0, 1)))
    global_feat = []
    index = 0
    for l in range(3):
        net = jnp.concatenate([net, xyz], axis=2)
        if l in _PALLAS_LAYERS:
            intra_idx, intra_cnt, intra_dst, filt_idx = _graph_pallas(xyz, RADIUS[l], NN_UP[l])
        else:
            intra_idx, intra_cnt, intra_dst, _ = _build_graph(xyz, RADIUS[l], NN_UP[l], NUM_SAMPLE[l])
            filt_idx = _spherical_kernel(xyz, xyz, intra_idx, intra_cnt, intra_dst, RADIUS[l], KERNEL)
        m_s = xyz.shape[1] // NUM_SAMPLE[l]
        indices = jnp.broadcast_to(jnp.arange(m_s) * NUM_SAMPLE[l], (xyz.shape[0], m_s))
        for _ in CHANNELS[l]:
            net = _sep_conv(net, intra_idx, intra_cnt, filt_idx, params['convs'][index])
            index += 1
        xyz = _bgather(xyz, indices)
        intra_idx = _bgather(intra_idx, indices)
        intra_cnt = _bgather(intra_cnt, indices)
        net = _pool3d(net, intra_idx, intra_cnt)
        global_feat.append(jnp.max(net, axis=1, keepdims=True))
    nl = xyz.shape[1]
    nn_idx = jnp.broadcast_to(jnp.arange(nl)[None, None, :], (xyz.shape[0], 1, nl))
    nn_cnt = jnp.full((xyz.shape[0], 1), nl, dtype=jnp.int32)
    nn_dst = jnp.sqrt(jnp.maximum(jnp.sum((xyz - query) ** 2, axis=-1), 1e-12))[:, None, :]
    filt_idx = _spherical_kernel(xyz, query, nn_idx, nn_cnt, nn_dst, GLOBAL_RADIUS, G_KERNEL)
    net = _sep_conv(net, nn_idx, nn_cnt, filt_idx, params['gconv'])
    global_feat.append(net)
    y = jnp.concatenate(global_feat, axis=2).reshape(point_cloud.shape[0], -1)
    return _cls_head(y, params['cls'])

# --- scband reference (transcript-rebuilt; emitter-appended) ---
"""Pipeline reference for scband-sph3-d-472446403139 (READ-ONLY COPY).

The authoritative reference and input builder live on the scoring server;
editing this copy changes nothing except your own understanding.
"""

import jax, jax.numpy as jnp
import numpy as np
from jax import lax

B = 4
N = 2048
CLASS_NUMS = 40
MLP = 32
RADIUS = [0.2, 0.4, 0.8]
NN_UP = [32, 32, 32]
NUM_SAMPLE = [4, 4, 4]
CHANNELS = [[64, 64], [128, 128], [128, 128]]
MULT = [[2, 1], [2, 1], [2, 1]]
KERNEL = (8, 2, 2)
BIN_SIZE = 33
G_KERNEL = (8, 2, 1)
G_BIN = 17
G_CH = 512
G_MULT = 2
GLOBAL_RADIUS = 100.0


def _bgather(t, idx):
    return jax.vmap(lambda a, i: a[i])(t, idx)


def _bn(x, gamma, beta, axes):
    m = x.mean(axis=axes, keepdims=True)
    v = x.var(axis=axes, keepdims=True)
    return (x - m) / jnp.sqrt(v + 1e-5) * gamma + beta


def _build_graph(xyz, radius, K, num_sample):
    sq = jnp.sum(xyz * xyz, axis=-1)
    d2 = sq[:, :, None] + sq[:, None, :] - 2.0 * jnp.einsum('bnd,bmd->bnm', xyz, xyz)
    d2 = jnp.maximum(d2, 0.0)
    masked = jnp.where(d2 <= radius * radius, d2, jnp.inf)
    negvals, idx = lax.top_k(-masked, K)
    d2k = -negvals
    valid = jnp.isfinite(d2k)
    cnt = valid.sum(axis=-1).astype(jnp.int32)
    idx = jnp.where(valid, idx, 0)
    dst = jnp.sqrt(jnp.maximum(jnp.where(valid, d2k, 0.0), 1e-12))
    m = xyz.shape[1] // num_sample
    samp = jnp.broadcast_to(jnp.arange(m) * num_sample, (xyz.shape[0], m))
    return idx, cnt, dst, samp


def _spherical_kernel(database, query, nn_idx, nn_cnt, nn_dst, radius, kernel):
    database = lax.stop_gradient(database)
    query = lax.stop_gradient(query)
    nn_dst = lax.stop_gradient(nn_dst)
    nbr = _bgather(database, nn_idx)
    delta = nbr - query[:, :, None, :]
    dist = nn_dst
    nA, nP, nR = kernel
    azim = jnp.arctan2(delta[..., 1], delta[..., 0])
    a_bin = jnp.clip(jnp.floor((azim + np.pi) / (2.0 * np.pi) * nA), 0, nA - 1).astype(jnp.int32)
    pol = jnp.arccos(jnp.clip(delta[..., 2] / jnp.maximum(dist, 1e-9), -1.0, 1.0))
    p_bin = jnp.clip(jnp.floor(pol / np.pi * nP), 0, nP - 1).astype(jnp.int32)
    r_bin = jnp.clip(jnp.floor(dist / radius * nR), 0, nR - 1).astype(jnp.int32)
    bins = a_bin * (nP * nR) + p_bin * nR + r_bin
    bin_size = nA * nP * nR + 1
    bins = jnp.where(dist < 1e-4, bin_size - 1, bins)
    return bins


def _sep_conv(net, nn_idx, nn_cnt, filt_idx, p):
    nbr = _bgather(net, nn_idx)
    w = p['Wd'][filt_idx]
    Kn = nn_idx.shape[2]
    mask = (jnp.arange(Kn)[None, None, :] < nn_cnt[:, :, None]).astype(net.dtype)
    depth = jnp.einsum('bmkc,bmkcu,bmk->bmcu', nbr, w, mask)
    b, m = depth.shape[0], depth.shape[1]
    x = depth.reshape(b, m, -1) @ p['Wp']
    x = _bn(x, p['gamma'], p['beta'], (0, 1))
    return jax.nn.relu(x)


def _pool3d(net, idx, cnt):
    nbr = _bgather(net, idx)
    Kn = idx.shape[2]
    mask = jnp.arange(Kn)[None, None, :, None] < cnt[:, :, None, None]
    return jnp.max(jnp.where(mask, nbr, -jnp.inf), axis=2)


def _forward(point_cloud, params):
    pc = jnp.transpose(point_cloud, (0, 2, 1))
    pc = pc - pc.mean(axis=1, keepdims=True)
    scale = jnp.sqrt(jnp.max(jnp.sum(pc * pc, axis=-1, keepdims=True), axis=1, keepdims=True))
    pc = pc / scale
    xyz = pc
    query = xyz.mean(axis=1, keepdims=True)
    net = jax.nn.relu(_bn(xyz @ params['fc1']['W'], params['fc1']['gamma'], params['fc1']['beta'], (0, 1)))
    global_feat = []
    index = 0
    for l in range(3):
        net = jnp.concatenate([net, xyz], axis=2)
        intra_idx, intra_cnt, intra_dst, indices = _build_graph(xyz, RADIUS[l], NN_UP[l], NUM_SAMPLE[l])
        filt_idx = _spherical_kernel(xyz, xyz, intra_idx, intra_cnt, intra_dst, RADIUS[l], KERNEL)
        for _ in CHANNELS[l]:
            net = _sep_conv(net, intra_idx, intra_cnt, filt_idx, params['convs'][index])
            index += 1
        xyz = _bgather(xyz, indices)
        intra_idx = _bgather(intra_idx, indices)
        intra_cnt = _bgather(intra_cnt, indices)
        net = _pool3d(net, intra_idx, intra_cnt)
        global_feat.append(jnp.max(net, axis=1, keepdims=True))
    nl = xyz.shape[1]
    nn_idx = jnp.broadcast_to(jnp.arange(nl)[None, None, :], (xyz.shape[0], 1, nl))
    nn_cnt = jnp.full((xyz.shape[0], 1), nl, dtype=jnp.int32)
    nn_dst = jnp.sqrt(jnp.maximum(jnp.sum((xyz - query) ** 2, axis=-1), 1e-12))[:, None, :]
    filt_idx = _spherical_kernel(xyz, query, nn_idx, nn_cnt, nn_dst, GLOBAL_RADIUS, G_KERNEL)
    net = _sep_conv(net, nn_idx, nn_cnt, filt_idx, params['gconv'])
    global_feat.append(net)
    y = jnp.concatenate(global_feat, axis=2).reshape(point_cloud.shape[0], -1)
    c = params['cls']
    h = jax.nn.relu(_bn(y @ c['W1'], c['g1'], c['b1'], (0,)))
    h = jax.nn.relu(_bn(h @ c['W2'], c['g2'], c['b2'], (0,)))
    return h @ c['W3'] + c['b3']


def _init_params():
    keys = iter(jax.random.split(jax.random.key(42), 64))

    def nrm(shape, s):
        return jax.random.normal(next(keys), shape, dtype=jnp.float32) * s

    params = {'fc1': {'W': nrm((3, MLP), 0.3), 'gamma': jnp.ones((MLP,), jnp.float32), 'beta': jnp.zeros((MLP,), jnp.float32)}}
    convs = []
    c_in = MLP
    for l in range(3):
        c_in += 3
        for k, c_out in enumerate(CHANNELS[l]):
            u = MULT[l][k]
            convs.append({'Wd': nrm((BIN_SIZE, c_in, u), 0.1), 'Wp': nrm((c_in * u, c_out), 0.1), 'gamma': jnp.ones((c_out,), jnp.float32), 'beta': jnp.zeros((c_out,), jnp.float32)})
            c_in = c_out
    params['convs'] = convs
    params['gconv'] = {'Wd': nrm((G_BIN, c_in, G_MULT), 0.1), 'Wp': nrm((c_in * G_MULT, G_CH), 0.1), 'gamma': jnp.ones((G_CH,), jnp.float32), 'beta': jnp.zeros((G_CH,), jnp.float32)}
    params['cls'] = {'W1': nrm((64 + 128 + 128 + 512, 512), 0.05), 'g1': jnp.ones((512,), jnp.float32), 'b1': jnp.zeros((512,), jnp.float32), 'W2': nrm((512, 256), 0.05), 'g2': jnp.ones((256,), jnp.float32), 'b2': jnp.zeros((256,), jnp.float32), 'W3': nrm((256, CLASS_NUMS), 0.05), 'b3': jnp.zeros((CLASS_NUMS,), jnp.float32)}
    return params


def setup_inputs(seed: int = 0):
    key = jax.random.key(seed)
    return {'point_cloud': jax.random.normal(key, (B, 3, N), dtype=jnp.float32), 'params': _init_params()}


def reference(point_cloud, params):
    return _forward(point_cloud, params)

if __name__ == "__main__":
    import jax
    _d = setup_inputs()
    print(jax.jit(kernel)(*tuple(_d.values())))

</pallas_src>

<mosaic_0001>
module attributes {stable_mosaic.version = 14 : i64} {
  func.func @_cls_body(%arg0: memref<4x832xf32, #tpu.memory_space<vmem>>, %arg1: memref<832x512xf32, #tpu.memory_space<vmem>>, %arg2: memref<1x512xf32, #tpu.memory_space<vmem>>, %arg3: memref<1x512xf32, #tpu.memory_space<vmem>>, %arg4: memref<512x256xf32, #tpu.memory_space<vmem>>, %arg5: memref<1x256xf32, #tpu.memory_space<vmem>>, %arg6: memref<1x256xf32, #tpu.memory_space<vmem>>, %arg7: memref<256x40xf32, #tpu.memory_space<vmem>>, %arg8: memref<1x40xf32, #tpu.memory_space<vmem>>, %arg9: memref<4x40xf32, #tpu.memory_space<vmem>>) attributes {dimension_semantics = [], scalar_prefetch = 0 : i64, scratch_operands = 0 : i64, tpu.core_type = #tpu.core_type<tc>} {
    %get3A = arith.constant 0 : index
    %get3A_0 = arith.constant 0 : index
    %get3A_1 = vector.load %arg0[%get3A, %get3A_0] : memref<4x832xf32, #tpu.memory_space<vmem>>, vector<4x832xf32>
    %get3A_2 = arith.constant 0 : index
    %get3A_3 = arith.constant 0 : index
    %get3A_4 = vector.load %arg1[%get3A_2, %get3A_3] : memref<832x512xf32, #tpu.memory_space<vmem>>, vector<832x512xf32>
    %dot_general3A = arith.constant dense<0.000000e+00> : vector<4x512xf32>
    %dot_general3A_5 = tpu.matmul %get3A_1, %get3A_4, %dot_general3A {dimension_numbers = #tpu.dot_dimension_numbers<[1], [0], [0], [1], [0, 0, 1, 1], [], []>, transpose_lhs_hint = false} : vector<4x832xf32>, vector<832x512xf32>, vector<4x512xf32> -> vector<4x512xf32>
    %reduce_sum3A = arith.constant dense<0.000000e+00> : vector<512xf32>
    %reduce_sum3A_6 = vector.multi_reduction <add>, %dot_general3A_5, %reduce_sum3A [0] : vector<4x512xf32> to vector<512xf32>
    %broadcast_in_dim3A = vector.shape_cast %reduce_sum3A_6 : vector<512xf32> to vector<1x512xf32>
    %div3A = arith.constant 4.000000e+00 : f32
    %div3A_7 = vector.broadcast %div3A : f32 to vector<1x512xf32>
    %div3A_8 = arith.divf %broadcast_in_dim3A, %div3A_7 : vector<1x512xf32>
    %sub3A = vector.broadcast %div3A_8 : vector<1x512xf32> to vector<4x512xf32>
    %sub3A_9 = arith.subf %dot_general3A_5, %sub3A : vector<4x512xf32>
    %integer_pow3A = arith.mulf %sub3A_9, %sub3A_9 : vector<4x512xf32>
    %reduce_sum3A_10 = arith.constant dense<0.000000e+00> : vector<512xf32>
    %reduce_sum3A_11 = vector.multi_reduction <add>, %integer_pow3A, %reduce_sum3A_10 [0] : vector<4x512xf32> to vector<512xf32>
    %broadcast_in_dim3A_12 = vector.shape_cast %reduce_sum3A_11 : vector<512xf32> to vector<1x512xf32>
    %div3A_13 = arith.constant 4.000000e+00 : f32
    %div3A_14 = vector.broadcast %div3A_13 : f32 to vector<1x512xf32>
    %div3A_15 = arith.divf %broadcast_in_dim3A_12, %div3A_14 : vector<1x512xf32>
    %sub3A_16 = vector.broadcast %div3A_8 : vector<1x512xf32> to vector<4x512xf32>
    %sub3A_17 = arith.subf %dot_general3A_5, %sub3A_16 : vector<4x512xf32>
    %add3A = arith.constant 9.99999974E-6 : f32
    %add3A_18 = vector.broadcast %add3A : f32 to vector<1x512xf32>
    %add3A_19 = arith.addf %div3A_15, %add3A_18 : vector<1x512xf32>
    %sqrt3A = math.sqrt %add3A_19 : vector<1x512xf32>
    %div3A_20 = vector.broadcast %sqrt3A : vector<1x512xf32> to vector<4x512xf32>
    %div3A_21 = arith.divf %sub3A_17, %div3A_20 : vector<4x512xf32>
    %get3A_22 = arith.constant 0 : index
    %get3A_23 = arith.constant 0 : index
    %get3A_24 = vector.load %arg2[%get3A_22, %get3A_23] : memref<1x512xf32, #tpu.memory_space<vmem>>, vector<1x512xf32>
    %mul3A = vector.broadcast %get3A_24 : vector<1x512xf32> to vector<4x512xf32>
    %mul3A_25 = arith.mulf %div3A_21, %mul3A : vector<4x512xf32>
    %get3A_26 = arith.constant 0 : index
    %get3A_27 = arith.constant 0 : index
    %get3A_28 = vector.load %arg3[%get3A_26, %get3A_27] : memref<1x512xf32, #tpu.memory_space<vmem>>, vector<1x512xf32>
    %add3A_29 = vector.broadcast %get3A_28 : vector<1x512xf32> to vector<4x512xf32>
    %add3A_30 = arith.addf %mul3A_25, %add3A_29 : vector<4x512xf32>
    %max3A = arith.constant 0.000000e+00 : f32
    %max3A_31 = vector.broadcast %max3A : f32 to vector<4x512xf32>
    %max3A_32 = arith.maximumf %add3A_30, %max3A_31 : vector<4x512xf32>
    %get3A_33 = arith.constant 0 : index
    %get3A_34 = arith.constant 0 : index
    %get3A_35 = vector.load %arg4[%get3A_33, %get3A_34] : memref<512x256xf32, #tpu.memory_space<vmem>>, vector<512x256xf32>
    %dot_general3A_36 = arith.constant dense<0.000000e+00> : vector<4x256xf32>
    %dot_general3A_37 = tpu.matmul %max3A_32, %get3A_35, %dot_general3A_36 {dimension_numbers = #tpu.dot_dimension_numbers<[1], [0], [0], [1], [0, 0, 1, 1], [], []>, transpose_lhs_hint = false} : vector<4x512xf32>, vector<512x256xf32>, vector<4x256xf32> -> vector<4x256xf32>
    %reduce_sum3A_38 = arith.constant dense<0.000000e+00> : vector<256xf32>
    %reduce_sum3A_39 = vector.multi_reduction <add>, %dot_general3A_37, %reduce_sum3A_38 [0] : vector<4x256xf32> to vector<256xf32>
    %broadcast_in_dim3A_40 = vector.shape_cast %reduce_sum3A_39 : vector<256xf32> to vector<1x256xf32>
    %div3A_41 = arith.constant 4.000000e+00 : f32
    %div3A_42 = vector.broadcast %div3A_41 : f32 to vector<1x256xf32>
    %div3A_43 = arith.divf %broadcast_in_dim3A_40, %div3A_42 : vector<1x256xf32>
    %sub3A_44 = vector.broadcast %div3A_43 : vector<1x256xf32> to vector<4x256xf32>
    %sub3A_45 = arith.subf %dot_general3A_37, %sub3A_44 : vector<4x256xf32>
    %integer_pow3A_46 = arith.mulf %sub3A_45, %sub3A_45 : vector<4x256xf32>
    %reduce_sum3A_47 = arith.constant dense<0.000000e+00> : vector<256xf32>
    %reduce_sum3A_48 = vector.multi_reduction <add>, %integer_pow3A_46, %reduce_sum3A_47 [0] : vector<4x256xf32> to vector<256xf32>
    %broadcast_in_dim3A_49 = vector.shape_cast %reduce_sum3A_48 : vector<256xf32> to vector<1x256xf32>
    %div3A_50 = arith.constant 4.000000e+00 : f32
    %div3A_51 = vector.broadcast %div3A_50 : f32 to vector<1x256xf32>
    %div3A_52 = arith.divf %broadcast_in_dim3A_49, %div3A_51 : vector<1x256xf32>
    %sub3A_53 = vector.broadcast %div3A_43 : vector<1x256xf32> to vector<4x256xf32>
    %sub3A_54 = arith.subf %dot_general3A_37, %sub3A_53 : vector<4x256xf32>
    %add3A_55 = arith.constant 9.99999974E-6 : f32
    %add3A_56 = vector.broadcast %add3A_55 : f32 to vector<1x256xf32>
    %add3A_57 = arith.addf %div3A_52, %add3A_56 : vector<1x256xf32>
    %sqrt3A_58 = math.sqrt %add3A_57 : vector<1x256xf32>
    %div3A_59 = vector.broadcast %sqrt3A_58 : vector<1x256xf32> to vector<4x256xf32>
    %div3A_60 = arith.divf %sub3A_54, %div3A_59 : vector<4x256xf32>
    %get3A_61 = arith.constant 0 : index
    %get3A_62 = arith.constant 0 : index
    %get3A_63 = vector.load %arg5[%get3A_61, %get3A_62] : memref<1x256xf32, #tpu.memory_space<vmem>>, vector<1x256xf32>
    %mul3A_64 = vector.broadcast %get3A_63 : vector<1x256xf32> to vector<4x256xf32>
    %mul3A_65 = arith.mulf %div3A_60, %mul3A_64 : vector<4x256xf32>
    %get3A_66 = arith.constant 0 : index
    %get3A_67 = arith.constant 0 : index
    %get3A_68 = vector.load %arg6[%get3A_66, %get3A_67] : memref<1x256xf32, #tpu.memory_space<vmem>>, vector<1x256xf32>
    %add3A_69 = vector.broadcast %get3A_68 : vector<1x256xf32> to vector<4x256xf32>
    %add3A_70 = arith.addf %mul3A_65, %add3A_69 : vector<4x256xf32>
    %max3A_71 = arith.constant 0.000000e+00 : f32
    %max3A_72 = vector.broadcast %max3A_71 : f32 to vector<4x256xf32>
    %max3A_73 = arith.maximumf %add3A_70, %max3A_72 : vector<4x256xf32>
    %get3A_74 = arith.constant 0 : index
    %get3A_75 = arith.constant 0 : index
    %get3A_76 = vector.load %arg7[%get3A_74, %get3A_75] : memref<256x40xf32, #tpu.memory_space<vmem>>, vector<256x40xf32>
    %dot_general3A_77 = arith.constant dense<0.000000e+00> : vector<4x40xf32>
    %dot_general3A_78 = tpu.matmul %max3A_73, %get3A_76, %dot_general3A_77 {dimension_numbers = #tpu.dot_dimension_numbers<[1], [0], [0], [1], [0, 0, 1, 1], [], []>, transpose_lhs_hint = false} : vector<4x256xf32>, vector<256x40xf32>, vector<4x40xf32> -> vector<4x40xf32>
    %get3A_79 = arith.constant 0 : index
    %get3A_80 = arith.constant 0 : index
    %get3A_81 = vector.load %arg8[%get3A_79, %get3A_80] : memref<1x40xf32, #tpu.memory_space<vmem>>, vector<1x40xf32>
    %add3A_82 = vector.broadcast %get3A_81 : vector<1x40xf32> to vector<4x40xf32>
    %add3A_83 = arith.addf %dot_general3A_78, %add3A_82 : vector<4x40xf32>
    %swap3A = arith.constant 0 : index
    %swap3A_84 = arith.constant 0 : index
    %swap3A_85 = vector.load %arg9[%swap3A, %swap3A_84] : memref<4x40xf32, #tpu.memory_space<vmem>>, vector<4x40xf32>
    tpu.vector_store %arg9[%swap3A, %swap3A_84], %add3A_83 {strides = array<i32>} : memref<4x40xf32, #tpu.memory_space<vmem>>, vector<4x40xf32>,
    return
  }
}

</mosaic_0001>

<sc_bundles>
// kernel: gather_offload_async_start.1
scs
__scs_entry_jumppad:
0x0: {  	(pc) =	sbr.rel $0x88, $3  }
0x1: {  	(tag) =	ssettag $0x0;
	lr =	simm.s32 $0x1  }
0x2: {  	[smem:$0x3F79] =	sst lr;
	_ =	strace $0xD0000000  }
0x3: {  	_ = 	snop  }
0x4: {  	_ = 	snop  }
0x5: {  	_ = 	snop  }
0x6: {  	_ = 	snop  }
0x7: {  	_ = 	snop  }
__scs_overlays_trampoline_lowered:
0x8: {  	[smem:$0x3F88] =	sst s0  }
0x9: {  	[smem:$0x3F89] =	sst s1  }
0xa: {  	[smem:$0x3F8A] =	sst s2  }
0xb: {  	[smem:$0x3F8B] =	sst s3  }
0xc: {  	[smem:$0x3F8C] =	sst s4  }
0xd: {  	[smem:$0x3F8D] =	sst s5  }
0xe: {  	[smem:$0x3F8E] =	sst s6  }
0xf: {  	[smem:$0x3F8F] =	sst s7  }
0x10: {  	[smem:$0x3F90] =	sst s8  }
0x11: {  	[smem:$0x3F91] =	sst s9;
	s0 =	simm.s32 @!p0 $0x0  }
0x12: {  	s1 =	sld [smem:$0x3F77];
	s0 =	simm.s32 @p0 $0x1  }
0x13: {  	[smem:$0x3F92] =	sst s0;
	s0 =	simm.s32 @!p1 $0x0  }
0x14: {  	s2 =	sld [smem:$0x3F76];
	s0 =	simm.s32 @p1 $0x1  }
0x15: {  	[smem:$0x3F93] =	sst s0;
	s0 =	simm.s32 @!p2 $0x0  }
0x16: {  	s3 =	sld [smem:$0x3FDB];
	s0 =	simm.s32 @p2 $0x1  }
0x17: {  	s4 =	simm.s32 $0x1BF5;
	[smem:$0x3F95] =	sst s0  }
0x18: {  	s0 =	sld [smem:$0x3F78];
	_ =	swait.ge [sflag:s4], $0x0  }
0x19: {  	s7 =	sld [smem:$0x3F79]  }
0x1a: {  	s8 =	sadd.s32 $0xFFFFE003, lr  }
0x1b: {  	s9 =	sadd.s32 $0xFFFFFEF7, lr;
	s5 =	simm.s32 $0xFFFFFFFF;
	p2 =	slt.u32 s8, $0xFFFFF086  }
0x1c: {  	p1 =	slt.u32 s9, $0xF7A;
	s5 =	simm.s32 @!p2 $0x0  }
0x1d: {  	s5 =	simm.s32 @p1 $0x1;
	p0 =	seq.s32 s7, s2  }
0x1e: {  	s7 =	smul.u32 @!p0 $0xF7A, s2;
	p2 =	seq.s32 @!p0 s5, $0x0  }
0x1f: {  	s9 =	smul.u32 $0xF7A, s1;
	s8 =	simm.s32 @!p0 $0x1BF5;
	p2 =	por !p2, p0  }
0x20: {  	[sflag:s8] =	ssyncset.s32 @!p0 $0xFFFFF086;
	s6 =	sadd.s32 @!p0 s3, s7;
	s7 =	simm.s32 @!p0 $0x108  }
0x21: {  	s3 =	sadd.s32 s3, s9;
	s6 =	sadd.s32 @!p0 $0x88, s6;
	s7 =	simm.s32 @p2 $0x1082  }
0x22: {  	[simem:s7], [sflag:s8] =	dma.local @!p0 [hbm:s6], $0xF7A  }
0x23: {  	s9 =	sor.u32 $0xD0000000, s2;
	s6 =	simm.s32 $0x108;
	_ =	swait.ge @!p0 [sflag:s8], $0x0  }
0x24: {  	s3 =	sadd.s32 $0x88, s3;
	s6 =	simm.s32 @!p1 $0x1082;
	[sflag:s4] =	ssyncset.s32 $0xFFFFF086  }
0x25: {  	[simem:s6], [sflag:s4] =	dma.local [hbm:s3], $0xF7A  }
0x26: {  	[smem:$0x3F79] =	sst s1;
	(tag) =	ssettag s2;
	_ =	strace s9  }
0x27: {  	s1 =	sld [smem:$0x3F89]  }
0x28: {  	s2 =	sld [smem:$0x3F8A]  }
0x29: {  	s4 =	sld [smem:$0x3F8C]  }
0x2a: {  	p0 =	seq.s32 s5, $0x0;
	s5 =	sld [smem:$0x3F8D]  }
0x2b: {  	s6 =	sld [smem:$0x3F8E]  }
0x2c: {  	s7 =	sld [smem:$0x3F8F]  }
0x2d: {  	s3 =	simm.s32 $0x108;
	s8 =	sld [smem:$0x3F90]  }
0x2e: {  	s3 =	simm.s32 @!p0 $0x1082;
	s9 =	sld [smem:$0x3F91]  }
0x2f: {  	lr =	sadd.s32 s0, s3;
	s0 =	sld [smem:$0x3F88]  }
0x30: {  	s3 =	sld [smem:$0x3F8B]  }
0x31: {  	[smem:$0x3F94] =	sst s10  }
0x32: {  	s10 =	sld [smem:$0x3F92];
	_ =	sdelay $0x3  }
0x33: {  	p0 =	seq.s32 s10, $0x1;
	s10 =	sld [smem:$0x3F94];
	_ =	sdelay $0x3  }
0x34: {  	[smem:$0x3F94] =	sst s10  }
0x35: {  	s10 =	sld [smem:$0x3F93];
	_ =	sdelay $0x3  }
0x36: {  	p1 =	seq.s32 s10, $0x1;
	s10 =	sld [smem:$0x3F94];
	_ =	sdelay $0x3  }
0x37: {  	[smem:$0x3F94] =	sst s10  }
0x38: {  	s10 =	sld [smem:$0x3F95]  }
0x39: {  	_ = 	snop;
	(pc) =	sbr.ind lr, $3  }
0x3a: {  	_ = 	snop  }
0x3b: {  	_ = 	snop  }
0x3c: {  	p2 =	seq.s32 s10, $0x1;
	s10 =	sld [smem:$0x3F94]  }
0x3d: {  	_ =	shalt  }
0x3e: {  	_ =	shalt  }
0x3f: {  	_ =	shalt  }
0x40: {  	_ =	shalt  }
0x41: {  	_ =	shalt  }
0x42: {  	_ =	shalt  }
0x43: {  	_ =	shalt  }
0x44: {  	_ =	shalt  }
0x45: {  	_ =	shalt  }
0x46: {  	_ =	shalt  }
0x47: {  	_ =	shalt  }
0x48: {  	_ =	shalt  }
0x49: {  	_ =	shalt  }
0x4a: {  	_ =	shalt  }
0x4b: {  	_ =	shalt  }
0x4c: {  	_ =	shalt  }
0x4d: {  	_ =	shalt  }
0x4e: {  	_ =	shalt  }
0x4f: {  	_ =	shalt  }
0x50: {  	_ =	shalt  }
0x51: {  	_ =	shalt  }
0x52: {  	_ =	shalt  }
0x53: {  	_ =	shalt  }
0x54: {  	_ =	shalt  }
0x55: {  	_ =	shalt  }
0x56: {  	_ =	shalt  }
0x57: {  	_ =	shalt  }
0x58: {  	_ =	shalt  }
0x59: {  	_ =	shalt  }
0x5a: {  	_ =	shalt  }
0x5b: {  	_ =	shalt  }
0x5c: {  	_ =	shalt  }
0x5d: {  	_ =	shalt  }
0x5e: {  	_ =	shalt  }
0x5f: {  	_ =	shalt  }
0x60: {  	_ =	shalt  }
0x61: {  	_ =	shalt  }
0x62: {  	_ =	shalt  }
0x63: {  	_ =	shalt  }
0x64: {  	_ =	shalt  }
0x65: {  	_ =	shalt  }
0x66: {  	_ =	shalt  }
0x67: {  	_ =	shalt  }
0x68: {  	_ =	shalt  }
0x69: {  	_ =	shalt  }
0x6a: {  	_ =	shalt  }
0x6b: {  	_ =	shalt  }
0x6c: {  	_ =	shalt  }
0x6d: {  	_ =	shalt  }
0x6e: {  	_ =	shalt  }
0x6f: {  	_ =	shalt  }
0x70: {  	_ =	shalt  }
0x71: {  	_ =	shalt  }
0x72: {  	_ =	shalt  }
0x73: {  	_ =	shalt  }
0x74: {  	_ =	shalt  }
0x75: {  	_ =	shalt  }
0x76: {  	_ =	shalt  }
0x77: {  	_ =	shalt  }
0x78: {  	_ =	shalt  }
0x79: {  	_ =	shalt  }
0x7a: {  	_ =	shalt  }
0x7b: {  	_ =	shalt  }
0x7c: {  	_ =	shalt  }
0x7d: {  	_ =	shalt  }
0x7e: {  	_ =	shalt  }
0x7f: {  	_ =	shalt  }
0x80: {  	_ =	shalt  }
0x81: {  	_ =	shalt  }
0x82: {  	_ =	shalt  }
0x83: {  	_ =	shalt  }
0x84: {  	_ =	shalt  }
0x85: {  	_ =	shalt  }
0x86: {  	_ =	shalt  }
0x87: {  	_ =	shalt  }
.Lfunc_end0:
.L_simem_size_0:
called_computation.2_lowered:
.L_overlay_start_0:
0x88: {  	s2 =	sld [smem:$0x3FD9]  }
0x89: {  	s3 =	sld [smem:$0x3FFE];
	_ =	sdelay $0x1  }
0x8a: {  	s1 =	srdreg.scid  }
0x8b: {  	s0 =	sand.u32 $0x1, s1  }
0x8c: {  	s16 =	sshll.u32 s0, $0xA;
	s2 =	sadd.s32 s3, s2  }
0x8d: {  	s2 =	sadd.s32 s2, s16  }
0x8e: {  	[smem:$0x3FA0] =	sst s2  }
0x8f: {  	_ = 	snop  }
0x90: {  	(tm) =	ssettm $0x1  }
0x91: {  	s17 =	sld [smem:$0x3FFB];
	_ =	sdelay $0x3  }
0x92: {  	_ =	strace s17  }
0x93: {  	s2 =	sld [smem:$0x3FFC];
	_ =	sdelay $0x3  }
0x94: {  	_ =	strace s2  }
0x95: {  	s2 =	sld [smem:$0x3FFD];
	_ =	sdelay $0x3  }
0x96: {  	_ =	strace s2  }
0x97: {  	_ =	strace $0x8FFFFFFF  }
0x98: {  	s18 =	sld [smem:$0x3FDB];
	_ =	sdelay $0x1  }
0x99: {  	s19 =	simm.s32 $_scs_section_size  }
0x9a: {  	s4 =	simm.s32 $_size__tile_overlayer_lowered;
	s5 =	simm.s32 $_tile_overlayer_lowered  }
0x9b: {  	s22 =	simm.s32 $0x1BFF;
	s21 =	sshll.u32 s5, $0x1;
	s2 =	sadd.s32 s19, s18  }
0x9c: {  	s6 =	simm.s32 $0x0;
	s20 =	sshll.u32 s4, $0x1;
	s4 =	sadd.s32 s21, s2  }
0x9d: {  	[timem:s6], [sflag:s22] =	dma.local [hbm:s4], s20  }
0x9e: {  	_ =	swait.ge [sflag:s22], s20  }
0x9f: {  	s3 =	ssub.s32 $0x0, s20;
	[sflag:s22] =	ssyncset.done $0x0  }
0xa0: {  	[sflag:s22] =	ssyncadd.s32 s3;
	_ =	sdelay $0x1  }
0xa1: {  	s23 =	simm.s32 $0x1B8B  }
0xa2: {  	_ =	swait.ge [sflag:s23], $0x1  }
0xa3: {  	[sflag:s23] =	ssyncset.done $0x0  }
0xa4: {  	s25 =	simm.s32 $0x1B8E;
	s24 =	sld [smem:$0x3FFE];
	[sflag:s23] =	ssyncadd.s32 $0xFFFFFFFF  }
0xa5: {  	s26 =	simm.s32 $execute0_lowered;
	[smem:$0x3FD2] =	sst s25  }
0xa6: {  	s4 =	sshll.u32 s26, $0x1;
	_ =	strace $0x8000004F;
	[dreg:$0x1] =	wrdreg $0xFFFFFFFF  }
0xa7: {  	s28 =	simm.s32 $_size_execute0_lowered;
	s2 =	sadd.s32 s2, s4;
	[dreg:$0x0] =	wrdreg $0x0  }
0xa8: {  	s4 =	sshll.u32 s28, $0x1;
	[dreg:$0x2] =	wrdreg s2  }
0xa9: {  	[dreg:$0x3] =	wrdreg s4  }
0xaa: {  	[dreg:$0x4] =	wrdreg $0xC0  }
0xab: {  	_ =	task [dreg:s6], $0x5FFFF  }
0xac: {  	[dreg:$0x1] =	wrdreg $0xFFFFFFFF  }
0xad: {  	[dreg:$0x0] =	wrdreg $0x60  }
0xae: {  	[dreg:$0x2] =	wrdreg s24  }
0xaf: {  	[dreg:$0x3] =	wrdreg $0x9  }
0xb0: {  	_ =	task.clear_ibuf [dreg:s6], $0x4FFFF;
	_ =	strace $0x9000004F  }
0xb1: {  	s29 =	simm.s32 $0x9;
	_ =	strace $0x80000051  }
0xb2: {  	_ =	swait.ge [sflag:s29], $0x1  }
0xb3: {  	[sflag:s29] =	ssyncadd.s32 $0xFFFFFFFF  }
0xb4: {  	_ =	strace $0x90000051  }
0xb5: {  	_ =	sfence  }
0xb6: {  	s30 =	sld [smem:$0x0];
	_ =	sdelay $0x2  }
0xb7: {  	s31 =	sshll.u32 s1, $0xD;
	s1 =	sshrl.u32 s1, $0x2  }
0xb8: {  	s3 =	sand.u32 $0x4000, s31;
	s1 =	sadd.s32 s1, s30  }
0xb9: {  	s0 =	sor.u32 s3, s0;
	s1 =	sshll.u32 s1, $0x11  }
0xba: {  	s0 =	sor.u32 s1, s0  }
0xbb: {  	s0 =	sadd.s32 $0x8F2B, s0  }
0xbc: {  	[sflag:s0] =	ssyncadd.remote.s32 $0x1  }
0xbd: {  	_ =	sfence.sel $0xFFFF  }
0xbe: {  	[dreg:$0x0] =	wrdreg $0xFFFFFFFF;
	(pc) =	sbr.abs _section_cstart, $3  }
0xbf: {  	[dreg:$0x1] =	wrdreg $0xFFFFFFFF  }
0xc0: {  	_ =	task.clear_ibuf [dreg:s6], $0x2FFFF;
	_ =	strace $0x9FFFFFFF  }
0xc1: {  	(tm) =	ssettm $0x7FFFFFFF  }
tec
execute0_lowered:
.L_overlay_start_1:
0x0: {  	(tag) =	ssettag $0x1  }
0x1: {  	s2 =	rddreg [dreg:$0x0]  }
0x2: {  	s0 =	rddreg [dreg:$0x1]  }
0x3: {  	s1 =	srdreg.scid;
	_ =	strace $0x80000050;
	s4 =	simm.s32 $0x1  }
0x4: {  	s9 =	simm.s32 $0x3;
	s12 =	simm.s32 $0x0;
	s5 =	sshll.u32 s1, $0x4  }
.Ltmp0:
0x5: {  	s1 =	stileid.u32;
	s5 =	sand.u32 $0x10, s5;
	(pc) =	sbr.rel .LBB2_1-.Ltmp0, $4  }
0x6: {  	s10 =	simm.s32 $0x0;
	s3 =	sadd.s32 $0x20000, s2;
	s6 =	sor.u32 s1, s5  }
0x7: {  	[sflag:s4] =	ssyncpa.u1 $0x0;
	s5 =	simm.s32 $0x2;
	s6 =	sshll.u32 s6, $0x6  }
0x8: {  	s7 =	sadd.s32 $0x429000, s2;
	[sflag:s5] =	ssyncpa.u1 $0x0;
	s8 =	sadd.s32 $0x40, s6  }
0x9: {  	vm0 =	vmmov $0xff;
	vm1 =	vcmask $0x3F20;
	[sflag:s9] =	ssyncpa.u1 $0x0;
	s9 =	simm.s32 $0x40;
	s11 =	smov.u32 s6  }
.LBB2_9:
0xa: {  	p0 =	seq.s32 s10, $0x2  }
.Ltmp1:
0xb: {  	_ = 	snop;
	(pc) =	sbr.rel @p0 .LBB2_11-.Ltmp1, $1  }
0xc: {  	_ =	sdelay $0x3  }
.LBB2_10:
0xd: {  	s12 =	sadd.s32 $0x40, s11  }
0xe: {  	s13 =	smov.u32 s6;
	p0 =	slt.s32 s12, s8  }
0xf: {  	s13 =	smov.u32 @p0 s12  }
0x10: {  	s10 =	sadd.s32 $0x1, s10;
	s12 =	smov.u32 s11;
	s11 =	smov.u32 s13  }
.LBB2_1:
0x11: {  	p0 =	sne.s32 s10, $0x0  }
.Ltmp2:
0x12: {  	_ = 	snop;
	(pc) =	sbr.rel @!p0 .LBB2_2-.Ltmp2, $1  }
0x13: {  	_ =	sdelay $0x3  }
0x14: {  	s13 =	sand.u32 $0x1, s10  }
0x15: {  	p0 =	seq.s32 s13, $0x0  }
.Ltmp3:
0x16: {  	_ = 	snop;
	(pc) =	sbr.rel @p0 .LBB2_9-.Ltmp3, $1  }
0x17: {  	_ =	sdelay $0x3  }
0x18: {  	_ =	swait.ge [sflag:s5], $0x40  }
0x19: {  	[sflag:s5] =	ssyncset.done $0x0  }
0x1a: {  	s13 =	simm.s32 $0x0;
	[sflag:s5] =	ssyncadd.s32 $0xFFFFFFC0  }
0x1b: {  	v0 =	vld.msk [tilespmem:s13+$0x40 ss:$0x1], $0xffff;
	_ =	sdelay $0x4  }
0x1c: {  	v1 =	vshll.u32 v0, $0x5  }
0x1d: {  	vm2 =	veq.s32 v0, $0x80000000;
	v0 =	vshll.u32 v0, $0x12;
	v1 =	vand.u32 $0x3FF80, v1  }
0x1e: {  	v0 =	vand.u32 $0xC0000, v0;
	v1 =	vsel vm2, $0xFFFFFF80, v1  }
0x1f: {  	v0 =	vsel vm2, $0xFFFC0000, v0;
	v2 =	vand.u32 $0xFFFFFC00, v1  }
0x20: {  	v1 =	vand.u32 $0x380, v1;
	v0 =	vadd.s32 v0, v2  }
0x21: {  	v0 =	vor.u32 v1, v0  }
0x22: {  	v0 =	vshrl.u32 v0, $0x3;
	_ =	sdelay $0x3  }
0x23: {  	s13 =	simm.s32 $0x2080  }
0x24: {  	[tilespmem:s13], [sflag:$0x1] =	stream.indirect_vreg.gather [hbm:s2], $0x80, v0, vm0, $0x38;
	[tilespmem:$0x4080] =	vst v63  }
0x25: {  	s14 =	simm.s32 $0x2480;
	s31 =	simm.s32 $0x10  }
0x26: {  	[tilespmem:s14], [sflag:$0x1] =	stream.indirect_vreg.gather [hbm:s2], $0x80, v0, vm1, $0x38;
	[tilespmem:$0x4080] =	vst v63  }
0x27: {  	s14 =	simm.s32 $0x80;
	v0 =	vld.msk [tilespmem:s31+$0x40 ss:$0x1], $0xffff  }
.LBB2_5:
0x28: {  	p0 =	sne.s32 s14, $0xC0;
	_ =	sdelay $0x4  }
0x29: {  	v1 =	vshll.u32 v0, $0x5  }
0x2a: {  	vm2 =	veq.s32 v0, $0x80000000;
	v0 =	vshll.u32 v0, $0x12;
	v1 =	vand.u32 $0x3FF80, v1  }
0x2b: {  	v0 =	vand.u32 $0xC0000, v0;
	v1 =	vsel vm2, $0xFFFFFF80, v1  }
0x2c: {  	v0 =	vsel vm2, $0xFFFC0000, v0;
	v2 =	vand.u32 $0xFFFFFC00, v1  }
0x2d: {  	v1 =	vand.u32 $0x380, v1;
	v0 =	vadd.s32 v0, v2  }
0x2e: {  	v0 =	vor.u32 v1, v0  }
0x2f: {  	v0 =	vshrl.u32 v0, $0x3;
	_ =	sdelay $0x3  }
.Ltmp4:
0x30: {  	s13 =	sadd.s32 $0x800, s13;
	(pc) =	sbr.rel @p0 .LBB2_5-.Ltmp4, $4  }
0x31: {  	[tilespmem:s13], [sflag:$0x1] =	stream.indirect_vreg.gather [hbm:s2], $0x80, v0, vm0, $0x38;
	[tilespmem:$0x4080] =	vst v63  }
0x32: {  	s15 =	sshra.s32 s14, $0x2;
	s16 =	sadd.s32 $0x400, s13  }
0x33: {  	[tilespmem:s16], [sflag:$0x1] =	stream.indirect_vreg.gather [hbm:s2], $0x80, v0, vm1, $0x38;
	[tilespmem:$0x4080] =	vst v63  }
0x34: {  	s14 =	sadd.s32 $0x40, s14;
	v0 =	vld.msk [tilespmem:s15+$0x40 ss:$0x1], $0xffff  }
0x35: {  	_ =	sdelay $0x3  }
0x36: {  	v1 =	vshll.u32 v0, $0x5  }
0x37: {  	vm2 =	veq.s32 v0, $0x80000000;
	v63 =	vshll.u32 v0, $0x12;
	v1 =	vand.u32 $0x3FF80, v1  }
0x38: {  	v0 =	vand.u32 $0xC0000, v63;
	v1 =	vsel vm2, $0xFFFFFF80, v1  }
0x39: {  	v0 =	vsel vm2, $0xFFFC0000, v0;
	v2 =	vand.u32 $0xFFFFFC00, v1  }
0x3a: {  	v1 =	vand.u32 $0x380, v1;
	v0 =	vadd.s32 v0, v2  }
0x3b: {  	v0 =	vor.u32 v1, v0  }
0x3c: {  	v0 =	vshrl.u32 v0, $0x3;
	_ =	sdelay $0x3  }
0x3d: {  	s13 =	sadd.s32 $0x800, s13  }
0x3e: {  	[tilespmem:s13], [sflag:$0x1] =	stream.indirect_vreg.gather [hbm:s2], $0x80, v0, vm0, $0x38;
	[tilespmem:$0x4080] =	vst v63  }
0x3f: {  	s13 =	sadd.s32 $0x400, s13  }
0x40: {  	[tilespmem:s13], [sflag:$0x1] =	stream.indirect_vreg.gather [hbm:s2], $0x80, v0, vm1, $0x38;
	[tilespmem:$0x4080] =	vst v63  }
0x41: {  	s12 =	sshll.u32 s12, $0x4;
	s14 =	simm.s32 $0x80;
	_ =	swait.ge [sflag:s4], $0x2000  }
0x42: {  	s15 =	simm.s32 $0x2480;
	s12 =	sadd.s32 s12, s7;
	[sflag:s4] =	ssyncset.done $0x0  }
0x43: {  	s16 =	sadd.s32 $0x0, s12;
	s13 =	simm.s32 $0x2080;
	[sflag:s4] =	ssyncadd.s32 $0xFFFFE000  }
.LBB2_7:
0x44: {  	[hbm:s16] =	stream.linear.scatter [tilespmem:s13], [sflag:$0x3], $0x400, $0x38;
	[tilespmem:$0x4080] =	vst v63  }
0x45: {  	s16 =	smov.u32 s14;
	s13 =	smov.u32 s15;
	p0 =	sne.s32 s14, $0x380  }
.Ltmp5:
0x46: {  	s14 =	sadd.s32 $0x80, s14;
	(pc) =	sbr.rel @p0 .LBB2_7-.Ltmp5, $2  }
0x47: {  	_ =	sdelay $0x2  }
0x48: {  	s15 =	sadd.s32 $0x400, s15;
	s16 =	sadd.s32 s16, s12  }
.Ltmp6:
0x49: {  	(pc) =	sbr.rel .LBB2_9-.Ltmp6, $2  }
0x4a: {  	_ =	sdelay $0x2  }
0x4b: {  	[hbm:s16] =	stream.linear.scatter [tilespmem:s13], [sflag:$0x3], $0x400, $0x38;
	[tilespmem:$0x4080] =	vst v63  }
.LBB2_2:
.Ltmp7:
0x4c: {  	(pc) =	sbr.rel .LBB2_10-.Ltmp7, $4  }
0x4d: {  	_ = 	snop  }
0x4e: {  	s12 =	sshrl.u32 s11, $0x3  }
0x4f: {  	s13 =	sand.u32 $0x7, s11;
	s12 =	sadd.s32 s3, s12  }
0x50: {  	[tilespmem:s9], [sflag:$0x2] =	stream.linear.gather [hbm4b:s12+s13], $0x40, $0x38;
	[tilespmem:$0x4080] =	vst v63  }
.LBB2_11:
0x51: {  	s2 =	simm.s32 $0x3  }
0x52: {  	_ =	swait.ge [sflag:s2], $0x2000  }
0x53: {  	[sflag:s2] =	ssyncset.done $0x0  }
0x54: {  	[sflag:s2] =	ssyncadd.s32 $0xFFFFE000  }
0x55: {  	_ =	sfence.sel $0x180000  }
0x56: {  	s3 =	simm.s32 $0x2;
	[bflag:$0x0] =	sbarrier.arrive $0xFFFF  }
0x57: {  	[sflag:s3] =	ssyncpa.u1 $0x1  }
0x58: {  	s31 =	simm.s32 $0x1;
	[sflag:s2] =	ssyncpa.u1 $0x1  }
0x59: {  	[sflag:s31] =	ssyncpa.u1 $0x1  }
0x5a: {  	p0 =	sne.s32 s1, $0x0;
	_ =	strace $0x90000050  }
0x5b: {  	s0 =	sadd.s32 @!p0 $0x100000, s0;
	[bflag:$0x2] =	sbarrier.arrive $0xFFFF  }
0x5c: {  	[sflag:s0] =	ssyncadd.tile.s32 @!p0 $0x1;
	_ =	shalt  }
.Lfunc_end2:
_tile_overlayer_lowered:
.L_overlay_start_2:
0x5d: {  	(tag) =	ssettag $0x2  }
0x5e: {  	s0 =	rddreg [dreg:$0x0];
	s2 =	stileid.u32  }
0x5f: {  	s1 =	rddreg [dreg:$0x1];
	p0 =	sne.s32 s2, $0x0  }
0x60: {  	s3 =	rddreg [dreg:$0x2];
	[bflag:$0x3] =	sbarrier.arrive $0xFFFF;
	s2 =	simm.s32 @!p0 $0x1C01  }
0x61: {  	[timem:s3], [sflag:s2] =	dma.local @!p0 [hbm:s0], s1  }
0x62: {  	s0 =	simm.s32 @!p0 $0x1  }
0x63: {  	_ =	swait.ge @!p0 [sflag:s0], s1  }
0x64: {  	s1 =	ssub.s32 @!p0 $0x0, s1;
	[sflag:s0] =	ssyncset.done @!p0 $0x0  }
0x65: {  	[sflag:s0] =	ssyncadd.s32 @!p0 s1  }
0x66: {  	[bflag:$0x3] =	sbarrier.arrive $0xFFFF  }
0x67: {  	_ =	shalt  }

// kernel: gather_offload_async_start.2
scs
__scs_entry_jumppad:
0x0: {  	(pc) =	sbr.rel $0x88, $3  }
0x1: {  	(tag) =	ssettag $0x0;
	lr =	simm.s32 $0x1  }
0x2: {  	[smem:$0x3F79] =	sst lr;
	_ =	strace $0xD0000000  }
0x3: {  	_ = 	snop  }
0x4: {  	_ = 	snop  }
0x5: {  	_ = 	snop  }
0x6: {  	_ = 	snop  }
0x7: {  	_ = 	snop  }
__scs_overlays_trampoline_lowered:
0x8: {  	[smem:$0x3F88] =	sst s0  }
0x9: {  	[smem:$0x3F89] =	sst s1  }
0xa: {  	[smem:$0x3F8A] =	sst s2  }
0xb: {  	[smem:$0x3F8B] =	sst s3  }
0xc: {  	[smem:$0x3F8C] =	sst s4  }
0xd: {  	[smem:$0x3F8D] =	sst s5  }
0xe: {  	[smem:$0x3F8E] =	sst s6  }
0xf: {  	[smem:$0x3F8F] =	sst s7  }
0x10: {  	[smem:$0x3F90] =	sst s8  }
0x11: {  	[smem:$0x3F91] =	sst s9;
	s0 =	simm.s32 @!p0 $0x0  }
0x12: {  	s1 =	sld [smem:$0x3F77];
	s0 =	simm.s32 @p0 $0x1  }
0x13: {  	[smem:$0x3F92] =	sst s0;
	s0 =	simm.s32 @!p1 $0x0  }
0x14: {  	s2 =	sld [smem:$0x3F76];
	s0 =	simm.s32 @p1 $0x1  }
0x15: {  	[smem:$0x3F93] =	sst s0;
	s0 =	simm.s32 @!p2 $0x0  }
0x16: {  	s3 =	sld [smem:$0x3FDB];
	s0 =	simm.s32 @p2 $0x1  }
0x17: {  	s4 =	simm.s32 $0x1BF5;
	[smem:$0x3F95] =	sst s0  }
0x18: {  	s0 =	sld [smem:$0x3F78];
	_ =	swait.ge [sflag:s4], $0x0  }
0x19: {  	s7 =	sld [smem:$0x3F79]  }
0x1a: {  	s8 =	sadd.s32 $0xFFFFE003, lr  }
0x1b: {  	s9 =	sadd.s32 $0xFFFFFEF7, lr;
	s5 =	simm.s32 $0xFFFFFFFF;
	p2 =	slt.u32 s8, $0xFFFFF086  }
0x1c: {  	p1 =	slt.u32 s9, $0xF7A;
	s5 =	simm.s32 @!p2 $0x0  }
0x1d: {  	s5 =	simm.s32 @p1 $0x1;
	p0 =	seq.s32 s7, s2  }
0x1e: {  	s7 =	smul.u32 @!p0 $0xF7A, s2;
	p2 =	seq.s32 @!p0 s5, $0x0  }
0x1f: {  	s9 =	smul.u32 $0xF7A, s1;
	s8 =	simm.s32 @!p0 $0x1BF5;
	p2 =	por !p2, p0  }
0x20: {  	[sflag:s8] =	ssyncset.s32 @!p0 $0xFFFFF086;
	s6 =	sadd.s32 @!p0 s3, s7;
	s7 =	simm.s32 @!p0 $0x108  }
0x21: {  	s3 =	sadd.s32 s3, s9;
	s6 =	sadd.s32 @!p0 $0x88, s6;
	s7 =	simm.s32 @p2 $0x1082  }
0x22: {  	[simem:s7], [sflag:s8] =	dma.local @!p0 [hbm:s6], $0xF7A  }
0x23: {  	s9 =	sor.u32 $0xD0000000, s2;
	s6 =	simm.s32 $0x108;
	_ =	swait.ge @!p0 [sflag:s8], $0x0  }
0x24: {  	s3 =	sadd.s32 $0x88, s3;
	s6 =	simm.s32 @!p1 $0x1082;
	[sflag:s4] =	ssyncset.s32 $0xFFFFF086  }
0x25: {  	[simem:s6], [sflag:s4] =	dma.local [hbm:s3], $0xF7A  }
0x26: {  	[smem:$0x3F79] =	sst s1;
	(tag) =	ssettag s2;
	_ =	strace s9  }
0x27: {  	s1 =	sld [smem:$0x3F89]  }
0x28: {  	s2 =	sld [smem:$0x3F8A]  }
0x29: {  	s4 =	sld [smem:$0x3F8C]  }
0x2a: {  	p0 =	seq.s32 s5, $0x0;
	s5 =	sld [smem:$0x3F8D]  }
0x2b: {  	s6 =	sld [smem:$0x3F8E]  }
0x2c: {  	s7 =	sld [smem:$0x3F8F]  }
0x2d: {  	s3 =	simm.s32 $0x108;
	s8 =	sld [smem:$0x3F90]  }
0x2e: {  	s3 =	simm.s32 @!p0 $0x1082;
	s9 =	sld [smem:$0x3F91]  }
0x2f: {  	lr =	sadd.s32 s0, s3;
	s0 =	sld [smem:$0x3F88]  }
0x30: {  	s3 =	sld [smem:$0x3F8B]  }
0x31: {  	[smem:$0x3F94] =	sst s10  }
0x32: {  	s10 =	sld [smem:$0x3F92];
	_ =	sdelay $0x3  }
0x33: {  	p0 =	seq.s32 s10, $0x1;
	s10 =	sld [smem:$0x3F94];
	_ =	sdelay $0x3  }
0x34: {  	[smem:$0x3F94] =	sst s10  }
0x35: {  	s10 =	sld [smem:$0x3F93];
	_ =	sdelay $0x3  }
0x36: {  	p1 =	seq.s32 s10, $0x1;
	s10 =	sld [smem:$0x3F94];
	_ =	sdelay $0x3  }
0x37: {  	[smem:$0x3F94] =	sst s10  }
0x38: {  	s10 =	sld [smem:$0x3F95]  }
0x39: {  	_ = 	snop;
	(pc) =	sbr.ind lr, $3  }
0x3a: {  	_ = 	snop  }
0x3b: {  	_ = 	snop  }
0x3c: {  	p2 =	seq.s32 s10, $0x1;
	s10 =	sld [smem:$0x3F94]  }
0x3d: {  	_ =	shalt  }
0x3e: {  	_ =	shalt  }
0x3f: {  	_ =	shalt  }
0x40: {  	_ =	shalt  }
0x41: {  	_ =	shalt  }
0x42: {  	_ =	shalt  }
0x43: {  	_ =	shalt  }
0x44: {  	_ =	shalt  }
0x45: {  	_ =	shalt  }
0x46: {  	_ =	shalt  }
0x47: {  	_ =	shalt  }
0x48: {  	_ =	shalt  }
0x49: {  	_ =	shalt  }
0x4a: {  	_ =	shalt  }
0x4b: {  	_ =	shalt  }
0x4c: {  	_ =	shalt  }
0x4d: {  	_ =	shalt  }
0x4e: {  	_ =	shalt  }
0x4f: {  	_ =	shalt  }
0x50: {  	_ =	shalt  }
0x51: {  	_ =	shalt  }
0x52: {  	_ =	shalt  }
0x53: {  	_ =	shalt  }
0x54: {  	_ =	shalt  }
0x55: {  	_ =	shalt  }
0x56: {  	_ =	shalt  }
0x57: {  	_ =	shalt  }
0x58: {  	_ =	shalt  }
0x59: {  	_ =	shalt  }
0x5a: {  	_ =	shalt  }
0x5b: {  	_ =	shalt  }
0x5c: {  	_ =	shalt  }
0x5d: {  	_ =	shalt  }
0x5e: {  	_ =	shalt  }
0x5f: {  	_ =	shalt  }
0x60: {  	_ =	shalt  }
0x61: {  	_ =	shalt  }
0x62: {  	_ =	shalt  }
0x63: {  	_ =	shalt  }
0x64: {  	_ =	shalt  }
0x65: {  	_ =	shalt  }
0x66: {  	_ =	shalt  }
0x67: {  	_ =	shalt  }
0x68: {  	_ =	shalt  }
0x69: {  	_ =	shalt  }
0x6a: {  	_ =	shalt  }
0x6b: {  	_ =	shalt  }
0x6c: {  	_ =	shalt  }
0x6d: {  	_ =	shalt  }
0x6e: {  	_ =	shalt  }
0x6f: {  	_ =	shalt  }
0x70: {  	_ =	shalt  }
0x71: {  	_ =	shalt  }
0x72: {  	_ =	shalt  }
0x73: {  	_ =	shalt  }
0x74: {  	_ =	shalt  }
0x75: {  	_ =	shalt  }
0x76: {  	_ =	shalt  }
0x77: {  	_ =	shalt  }
0x78: {  	_ =	shalt  }
0x79: {  	_ =	shalt  }
0x7a: {  	_ =	shalt  }
0x7b: {  	_ =	shalt  }
0x7c: {  	_ =	shalt  }
0x7d: {  	_ =	shalt  }
0x7e: {  	_ =	shalt  }
0x7f: {  	_ =	shalt  }
0x80: {  	_ =	shalt  }
0x81: {  	_ =	shalt  }
0x82: {  	_ =	shalt  }
0x83: {  	_ =	shalt  }
0x84: {  	_ =	shalt  }
0x85: {  	_ =	shalt  }
0x86: {  	_ =	shalt  }
0x87: {  	_ =	shalt  }
.Lfunc_end0:
.L_simem_size_0:
called_computation.3_lowered:
.L_overlay_start_0:
0x88: {  	s2 =	sld [smem:$0x3FD9]  }
0x89: {  	s3 =	sld [smem:$0x3FFE];
	_ =	sdelay $0x1  }
0x8a: {  	s1 =	srdreg.scid  }
0x8b: {  	s0 =	sand.u32 $0x1, s1  }
0x8c: {  	s16 =	sshll.u32 s0, $0xA;
	s2 =	sadd.s32 s3, s2  }
0x8d: {  	s2 =	sadd.s32 s2, s16  }
0x8e: {  	[smem:$0x3FA0] =	sst s2  }
0x8f: {  	_ = 	snop  }
0x90: {  	(tm) =	ssettm $0x1  }
0x91: {  	s17 =	sld [smem:$0x3FFB];
	_ =	sdelay $0x3  }
0x92: {  	_ =	strace s17  }
0x93: {  	s2 =	sld [smem:$0x3FFC];
	_ =	sdelay $0x3  }
0x94: {  	_ =	strace s2  }
0x95: {  	s2 =	sld [smem:$0x3FFD];
	_ =	sdelay $0x3  }
0x96: {  	_ =	strace s2  }
0x97: {  	_ =	strace $0x8FFFFFFF  }
0x98: {  	s18 =	sld [smem:$0x3FDB];
	_ =	sdelay $0x1  }
0x99: {  	s19 =	simm.s32 $_scs_section_size  }
0x9a: {  	s4 =	simm.s32 $_size__tile_overlayer_lowered;
	s5 =	simm.s32 $_tile_overlayer_lowered  }
0x9b: {  	s22 =	simm.s32 $0x1BFF;
	s21 =	sshll.u32 s5, $0x1;
	s2 =	sadd.s32 s19, s18  }
0x9c: {  	s6 =	simm.s32 $0x0;
	s20 =	sshll.u32 s4, $0x1;
	s4 =	sadd.s32 s21, s2  }
0x9d: {  	[timem:s6], [sflag:s22] =	dma.local [hbm:s4], s20  }
0x9e: {  	_ =	swait.ge [sflag:s22], s20  }
0x9f: {  	s3 =	ssub.s32 $0x0, s20;
	[sflag:s22] =	ssyncset.done $0x0  }
0xa0: {  	[sflag:s22] =	ssyncadd.s32 s3;
	_ =	sdelay $0x1  }
0xa1: {  	s23 =	simm.s32 $0x1B8B  }
0xa2: {  	_ =	swait.ge [sflag:s23], $0x1  }
0xa3: {  	[sflag:s23] =	ssyncset.done $0x0  }
0xa4: {  	s25 =	simm.s32 $0x1B8E;
	s24 =	sld [smem:$0x3FFE];
	[sflag:s23] =	ssyncadd.s32 $0xFFFFFFFF  }
0xa5: {  	s26 =	simm.s32 $execute0_lowered;
	[smem:$0x3FD2] =	sst s25  }
0xa6: {  	s4 =	sshll.u32 s26, $0x1;
	_ =	strace $0x80000046;
	[dreg:$0x1] =	wrdreg $0xFFFFFFFF  }
0xa7: {  	s28 =	simm.s32 $_size_execute0_lowered;
	s2 =	sadd.s32 s2, s4;
	[dreg:$0x0] =	wrdreg $0x0  }
0xa8: {  	s4 =	sshll.u32 s28, $0x1;
	[dreg:$0x2] =	wrdreg s2  }
0xa9: {  	[dreg:$0x3] =	wrdreg s4  }
0xaa: {  	[dreg:$0x4] =	wrdreg $0xC0  }
0xab: {  	_ =	task [dreg:s6], $0x5FFFF  }
0xac: {  	[dreg:$0x1] =	wrdreg $0xFFFFFFFF  }
0xad: {  	[dreg:$0x0] =	wrdreg $0x60  }
0xae: {  	[dreg:$0x2] =	wrdreg s24  }
0xaf: {  	[dreg:$0x3] =	wrdreg $0xA  }
0xb0: {  	_ =	task.clear_ibuf [dreg:s6], $0x4FFFF;
	_ =	strace $0x90000046  }
0xb1: {  	s29 =	simm.s32 $0xA;
	_ =	strace $0x80000048  }
0xb2: {  	_ =	swait.ge [sflag:s29], $0x1  }
0xb3: {  	[sflag:s29] =	ssyncadd.s32 $0xFFFFFFFF  }
0xb4: {  	_ =	strace $0x90000048  }
0xb5: {  	_ =	sfence  }
0xb6: {  	s30 =	sld [smem:$0x0];
	_ =	sdelay $0x2  }
0xb7: {  	s31 =	sshll.u32 s1, $0xD;
	s1 =	sshrl.u32 s1, $0x2  }
0xb8: {  	s3 =	sand.u32 $0x4000, s31;
	s1 =	sadd.s32 s1, s30  }
0xb9: {  	s0 =	sor.u32 s3, s0;
	s1 =	sshll.u32 s1, $0x11  }
0xba: {  	s0 =	sor.u32 s1, s0  }
0xbb: {  	s0 =	sadd.s32 $0x8F2B, s0  }
0xbc: {  	[sflag:s0] =	ssyncadd.remote.s32 $0x1  }
0xbd: {  	_ =	sfence.sel $0xFFFF  }
0xbe: {  	[dreg:$0x0] =	wrdreg $0xFFFFFFFF;
	(pc) =	sbr.abs _section_cstart, $3  }
0xbf: {  	[dreg:$0x1] =	wrdreg $0xFFFFFFFF  }
0xc0: {  	_ =	task.clear_ibuf [dreg:s6], $0x2FFFF;
	_ =	strace $0x9FFFFFFF  }
0xc1: {  	(tm) =	ssettm $0x7FFFFFFF  }
tec
execute0_lowered:
.L_overlay_start_1:
0x0: {  	(tag) =	ssettag $0x1  }
0x1: {  	s2 =	rddreg [dreg:$0x0]  }
0x2: {  	s0 =	rddreg [dreg:$0x1]  }
0x3: {  	s1 =	srdreg.scid;
	_ =	strace $0x80000047;
	s4 =	simm.s32 $0x1  }
0x4: {  	s9 =	simm.s32 $0x3;
	s12 =	simm.s32 $0x0;
	s5 =	sshll.u32 s1, $0x4  }
.Ltmp0:
0x5: {  	s1 =	stileid.u32;
	s5 =	sand.u32 $0x10, s5;
	(pc) =	sbr.rel .LBB2_1-.Ltmp0, $4  }
0x6: {  	s10 =	simm.s32 $0x0;
	s3 =	sadd.s32 $0x20000, s2;
	s6 =	sor.u32 s1, s5  }
0x7: {  	[sflag:s4] =	ssyncpa.u1 $0x0;
	s5 =	simm.s32 $0x2;
	s6 =	sshll.u32 s6, $0x6  }
0x8: {  	s7 =	sadd.s32 $0x20200, s2;
	[sflag:s5] =	ssyncpa.u1 $0x0;
	s8 =	sadd.s32 $0x40, s6  }
0x9: {  	vm0 =	vmmov $0xff;
	vm1 =	vcmask $0x3F20;
	[sflag:s9] =	ssyncpa.u1 $0x0;
	s9 =	simm.s32 $0x40;
	s11 =	smov.u32 s6  }
.LBB2_9:
0xa: {  	p0 =	seq.s32 s10, $0x2  }
.Ltmp1:
0xb: {  	_ = 	snop;
	(pc) =	sbr.rel @p0 .LBB2_11-.Ltmp1, $1  }
0xc: {  	_ =	sdelay $0x3  }
.LBB2_10:
0xd: {  	s12 =	sadd.s32 $0x40, s11  }
0xe: {  	s13 =	smov.u32 s6;
	p0 =	slt.s32 s12, s8  }
0xf: {  	s13 =	smov.u32 @p0 s12  }
0x10: {  	s10 =	sadd.s32 $0x1, s10;
	s12 =	smov.u32 s11;
	s11 =	smov.u32 s13  }
.LBB2_1:
0x11: {  	p0 =	sne.s32 s10, $0x0  }
.Ltmp2:
0x12: {  	_ = 	snop;
	(pc) =	sbr.rel @!p0 .LBB2_2-.Ltmp2, $1  }
0x13: {  	_ =	sdelay $0x3  }
0x14: {  	s13 =	sand.u32 $0x1, s10  }
0x15: {  	p0 =	seq.s32 s13, $0x0  }
.Ltmp3:
0x16: {  	_ = 	snop;
	(pc) =	sbr.rel @p0 .LBB2_9-.Ltmp3, $1  }
0x17: {  	_ =	sdelay $0x3  }
0x18: {  	_ =	swait.ge [sflag:s5], $0x40  }
0x19: {  	[sflag:s5] =	ssyncset.done $0x0  }
0x1a: {  	s13 =	simm.s32 $0x0;
	[sflag:s5] =	ssyncadd.s32 $0xFFFFFFC0  }
0x1b: {  	v0 =	vld.msk [tilespmem:s13+$0x40 ss:$0x1], $0xffff;
	_ =	sdelay $0x4  }
0x1c: {  	v1 =	vshll.u32 v0, $0x5  }
0x1d: {  	vm2 =	veq.s32 v0, $0x80000000;
	v0 =	vshll.u32 v0, $0x12;
	v1 =	vand.u32 $0x3FF80, v1  }
0x1e: {  	v0 =	vand.u32 $0xC0000, v0;
	v1 =	vsel vm2, $0xFFFFFF80, v1  }
0x1f: {  	v0 =	vsel vm2, $0xFFFC0000, v0;
	v2 =	vand.u32 $0xFFFFFC00, v1  }
0x20: {  	v1 =	vand.u32 $0x380, v1;
	v0 =	vadd.s32 v0, v2  }
0x21: {  	v0 =	vor.u32 v1, v0  }
0x22: {  	v0 =	vshrl.u32 v0, $0x3;
	_ =	sdelay $0x3  }
0x23: {  	s13 =	simm.s32 $0x2080  }
0x24: {  	[tilespmem:s13], [sflag:$0x1] =	stream.indirect_vreg.gather [hbm:s2], $0x80, v0, vm0, $0x38;
	[tilespmem:$0x4080] =	vst v63  }
0x25: {  	s14 =	simm.s32 $0x2480;
	s31 =	simm.s32 $0x10  }
0x26: {  	[tilespmem:s14], [sflag:$0x1] =	stream.indirect_vreg.gather [hbm:s2], $0x80, v0, vm1, $0x38;
	[tilespmem:$0x4080] =	vst v63  }
0x27: {  	s14 =	simm.s32 $0x80;
	v0 =	vld.msk [tilespmem:s31+$0x40 ss:$0x1], $0xffff  }
.LBB2_5:
0x28: {  	p0 =	sne.s32 s14, $0xC0;
	_ =	sdelay $0x4  }
0x29: {  	v1 =	vshll.u32 v0, $0x5  }
0x2a: {  	vm2 =	veq.s32 v0, $0x80000000;
	v0 =	vshll.u32 v0, $0x12;
	v1 =	vand.u32 $0x3FF80, v1  }
0x2b: {  	v0 =	vand.u32 $0xC0000, v0;
	v1 =	vsel vm2, $0xFFFFFF80, v1  }
0x2c: {  	v0 =	vsel vm2, $0xFFFC0000, v0;
	v2 =	vand.u32 $0xFFFFFC00, v1  }
0x2d: {  	v1 =	vand.u32 $0x380, v1;
	v0 =	vadd.s32 v0, v2  }
0x2e: {  	v0 =	vor.u32 v1, v0  }
0x2f: {  	v0 =	vshrl.u32 v0, $0x3;
	_ =	sdelay $0x3  }
.Ltmp4:
0x30: {  	s13 =	sadd.s32 $0x800, s13;
	(pc) =	sbr.rel @p0 .LBB2_5-.Ltmp4, $4  }
0x31: {  	[tilespmem:s13], [sflag:$0x1] =	stream.indirect_vreg.gather [hbm:s2], $0x80, v0, vm0, $0x38;
	[tilespmem:$0x4080] =	vst v63  }
0x32: {  	s15 =	sshra.s32 s14, $0x2;
	s16 =	sadd.s32 $0x400, s13  }
0x33: {  	[tilespmem:s16], [sflag:$0x1] =	stream.indirect_vreg.gather [hbm:s2], $0x80, v0, vm1, $0x38;
	[tilespmem:$0x4080] =	vst v63  }
0x34: {  	s14 =	sadd.s32 $0x40, s14;
	v0 =	vld.msk [tilespmem:s15+$0x40 ss:$0x1], $0xffff  }
0x35: {  	_ =	sdelay $0x3  }
0x36: {  	v1 =	vshll.u32 v0, $0x5  }
0x37: {  	vm2 =	veq.s32 v0, $0x80000000;
	v63 =	vshll.u32 v0, $0x12;
	v1 =	vand.u32 $0x3FF80, v1  }
0x38: {  	v0 =	vand.u32 $0xC0000, v63;
	v1 =	vsel vm2, $0xFFFFFF80, v1  }
0x39: {  	v0 =	vsel vm2, $0xFFFC0000, v0;
	v2 =	vand.u32 $0xFFFFFC00, v1  }
0x3a: {  	v1 =	vand.u32 $0x380, v1;
	v0 =	vadd.s32 v0, v2  }
0x3b: {  	v0 =	vor.u32 v1, v0  }
0x3c: {  	v0 =	vshrl.u32 v0, $0x3;
	_ =	sdelay $0x3  }
0x3d: {  	s13 =	sadd.s32 $0x800, s13  }
0x3e: {  	[tilespmem:s13], [sflag:$0x1] =	stream.indirect_vreg.gather [hbm:s2], $0x80, v0, vm0, $0x38;
	[tilespmem:$0x4080] =	vst v63  }
0x3f: {  	s13 =	sadd.s32 $0x400, s13  }
0x40: {  	[tilespmem:s13], [sflag:$0x1] =	stream.indirect_vreg.gather [hbm:s2], $0x80, v0, vm1, $0x38;
	[tilespmem:$0x4080] =	vst v63  }
0x41: {  	s12 =	sshll.u32 s12, $0x4;
	s14 =	simm.s32 $0x80;
	_ =	swait.ge [sflag:s4], $0x2000  }
0x42: {  	s15 =	simm.s32 $0x2480;
	s12 =	sadd.s32 s12, s7;
	[sflag:s4] =	ssyncset.done $0x0  }
0x43: {  	s16 =	sadd.s32 $0x0, s12;
	s13 =	simm.s32 $0x2080;
	[sflag:s4] =	ssyncadd.s32 $0xFFFFE000  }
.LBB2_7:
0x44: {  	[hbm:s16] =	stream.linear.scatter [tilespmem:s13], [sflag:$0x3], $0x400, $0x38;
	[tilespmem:$0x4080] =	vst v63  }
0x45: {  	s16 =	smov.u32 s14;
	s13 =	smov.u32 s15;
	p0 =	sne.s32 s14, $0x380  }
.Ltmp5:
0x46: {  	s14 =	sadd.s32 $0x80, s14;
	(pc) =	sbr.rel @p0 .LBB2_7-.Ltmp5, $2  }
0x47: {  	_ =	sdelay $0x2  }
0x48: {  	s15 =	sadd.s32 $0x400, s15;
	s16 =	sadd.s32 s16, s12  }
.Ltmp6:
0x49: {  	(pc) =	sbr.rel .LBB2_9-.Ltmp6, $2  }
0x4a: {  	_ =	sdelay $0x2  }
0x4b: {  	[hbm:s16] =	stream.linear.scatter [tilespmem:s13], [sflag:$0x3], $0x400, $0x38;
	[tilespmem:$0x4080] =	vst v63  }
.LBB2_2:
.Ltmp7:
0x4c: {  	(pc) =	sbr.rel .LBB2_10-.Ltmp7, $4  }
0x4d: {  	_ = 	snop  }
0x4e: {  	s12 =	sshrl.u32 s11, $0x3  }
0x4f: {  	s13 =	sand.u32 $0x7, s11;
	s12 =	sadd.s32 s3, s12  }
0x50: {  	[tilespmem:s9], [sflag:$0x2] =	stream.linear.gather [hbm4b:s12+s13], $0x40, $0x38;
	[tilespmem:$0x4080] =	vst v63  }
.LBB2_11:
0x51: {  	s2 =	simm.s32 $0x3  }
0x52: {  	_ =	swait.ge [sflag:s2], $0x2000  }
0x53: {  	[sflag:s2] =	ssyncset.done $0x0  }
0x54: {  	[sflag:s2] =	ssyncadd.s32 $0xFFFFE000  }
0x55: {  	_ =	sfence.sel $0x180000  }
0x56: {  	s3 =	simm.s32 $0x2;
	[bflag:$0x0] =	sbarrier.arrive $0xFFFF  }
0x57: {  	[sflag:s3] =	ssyncpa.u1 $0x1  }
0x58: {  	s31 =	simm.s32 $0x1;
	[sflag:s2] =	ssyncpa.u1 $0x1  }
0x59: {  	[sflag:s31] =	ssyncpa.u1 $0x1  }
0x5a: {  	p0 =	sne.s32 s1, $0x0;
	_ =	strace $0x90000047  }
0x5b: {  	s0 =	sadd.s32 @!p0 $0x100000, s0;
	[bflag:$0x2] =	sbarrier.arrive $0xFFFF  }
0x5c: {  	[sflag:s0] =	ssyncadd.tile.s32 @!p0 $0x1;
	_ =	shalt  }
.Lfunc_end2:
_tile_overlayer_lowered:
.L_overlay_start_2:
0x5d: {  	(tag) =	ssettag $0x2  }
0x5e: {  	s0 =	rddreg [dreg:$0x0];
	s2 =	stileid.u32  }
0x5f: {  	s1 =	rddreg [dreg:$0x1];
	p0 =	sne.s32 s2, $0x0  }
0x60: {  	s3 =	rddreg [dreg:$0x2];
	[bflag:$0x3] =	sbarrier.arrive $0xFFFF;
	s2 =	simm.s32 @!p0 $0x1C01  }
0x61: {  	[timem:s3], [sflag:s2] =	dma.local @!p0 [hbm:s0], s1  }
0x62: {  	s0 =	simm.s32 @!p0 $0x1  }
0x63: {  	_ =	swait.ge @!p0 [sflag:s0], s1  }
0x64: {  	s1 =	ssub.s32 @!p0 $0x0, s1;
	[sflag:s0] =	ssyncset.done @!p0 $0x0  }
0x65: {  	[sflag:s0] =	ssyncadd.s32 @!p0 s1  }
0x66: {  	[bflag:$0x3] =	sbarrier.arrive $0xFFFF  }
0x67: {  	_ =	shalt  }

// kernel: gather_offload_async_start
scs
__scs_entry_jumppad:
0x0: {  	(pc) =	sbr.rel $0x88, $3  }
0x1: {  	(tag) =	ssettag $0x0;
	lr =	simm.s32 $0x1  }
0x2: {  	[smem:$0x3F79] =	sst lr;
	_ =	strace $0xD0000000  }
0x3: {  	_ = 	snop  }
0x4: {  	_ = 	snop  }
0x5: {  	_ = 	snop  }
0x6: {  	_ = 	snop  }
0x7: {  	_ = 	snop  }
__scs_overlays_trampoline_lowered:
0x8: {  	[smem:$0x3F88] =	sst s0  }
0x9: {  	[smem:$0x3F89] =	sst s1  }
0xa: {  	[smem:$0x3F8A] =	sst s2  }
0xb: {  	[smem:$0x3F8B] =	sst s3  }
0xc: {  	[smem:$0x3F8C] =	sst s4  }
0xd: {  	[smem:$0x3F8D] =	sst s5  }
0xe: {  	[smem:$0x3F8E] =	sst s6  }
0xf: {  	[smem:$0x3F8F] =	sst s7  }
0x10: {  	[smem:$0x3F90] =	sst s8  }
0x11: {  	[smem:$0x3F91] =	sst s9;
	s0 =	simm.s32 @!p0 $0x0  }
0x12: {  	s1 =	sld [smem:$0x3F77];
	s0 =	simm.s32 @p0 $0x1  }
0x13: {  	[smem:$0x3F92] =	sst s0;
	s0 =	simm.s32 @!p1 $0x0  }
0x14: {  	s2 =	sld [smem:$0x3F76];
	s0 =	simm.s32 @p1 $0x1  }
0x15: {  	[smem:$0x3F93] =	sst s0;
	s0 =	simm.s32 @!p2 $0x0  }
0x16: {  	s3 =	sld [smem:$0x3FDB];
	s0 =	simm.s32 @p2 $0x1  }
0x17: {  	s4 =	simm.s32 $0x1BF5;
	[smem:$0x3F95] =	sst s0  }
0x18: {  	s0 =	sld [smem:$0x3F78];
	_ =	swait.ge [sflag:s4], $0x0  }
0x19: {  	s7 =	sld [smem:$0x3F79]  }
0x1a: {  	s8 =	sadd.s32 $0xFFFFE003, lr  }
0x1b: {  	s9 =	sadd.s32 $0xFFFFFEF7, lr;
	s5 =	simm.s32 $0xFFFFFFFF;
	p2 =	slt.u32 s8, $0xFFFFF086  }
0x1c: {  	p1 =	slt.u32 s9, $0xF7A;
	s5 =	simm.s32 @!p2 $0x0  }
0x1d: {  	s5 =	simm.s32 @p1 $0x1;
	p0 =	seq.s32 s7, s2  }
0x1e: {  	s7 =	smul.u32 @!p0 $0xF7A, s2;
	p2 =	seq.s32 @!p0 s5, $0x0  }
0x1f: {  	s9 =	smul.u32 $0xF7A, s1;
	s8 =	simm.s32 @!p0 $0x1BF5;
	p2 =	por !p2, p0  }
0x20: {  	[sflag:s8] =	ssyncset.s32 @!p0 $0xFFFFF086;
	s6 =	sadd.s32 @!p0 s3, s7;
	s7 =	simm.s32 @!p0 $0x108  }
0x21: {  	s3 =	sadd.s32 s3, s9;
	s6 =	sadd.s32 @!p0 $0x88, s6;
	s7 =	simm.s32 @p2 $0x1082  }
0x22: {  	[simem:s7], [sflag:s8] =	dma.local @!p0 [hbm:s6], $0xF7A  }
0x23: {  	s9 =	sor.u32 $0xD0000000, s2;
	s6 =	simm.s32 $0x108;
	_ =	swait.ge @!p0 [sflag:s8], $0x0  }
0x24: {  	s3 =	sadd.s32 $0x88, s3;
	s6 =	simm.s32 @!p1 $0x1082;
	[sflag:s4] =	ssyncset.s32 $0xFFFFF086  }
0x25: {  	[simem:s6], [sflag:s4] =	dma.local [hbm:s3], $0xF7A  }
0x26: {  	[smem:$0x3F79] =	sst s1;
	(tag) =	ssettag s2;
	_ =	strace s9  }
0x27: {  	s1 =	sld [smem:$0x3F89]  }
0x28: {  	s2 =	sld [smem:$0x3F8A]  }
0x29: {  	s4 =	sld [smem:$0x3F8C]  }
0x2a: {  	p0 =	seq.s32 s5, $0x0;
	s5 =	sld [smem:$0x3F8D]  }
0x2b: {  	s6 =	sld [smem:$0x3F8E]  }
0x2c: {  	s7 =	sld [smem:$0x3F8F]  }
0x2d: {  	s3 =	simm.s32 $0x108;
	s8 =	sld [smem:$0x3F90]  }
0x2e: {  	s3 =	simm.s32 @!p0 $0x1082;
	s9 =	sld [smem:$0x3F91]  }
0x2f: {  	lr =	sadd.s32 s0, s3;
	s0 =	sld [smem:$0x3F88]  }
0x30: {  	s3 =	sld [smem:$0x3F8B]  }
0x31: {  	[smem:$0x3F94] =	sst s10  }
0x32: {  	s10 =	sld [smem:$0x3F92];
	_ =	sdelay $0x3  }
0x33: {  	p0 =	seq.s32 s10, $0x1;
	s10 =	sld [smem:$0x3F94];
	_ =	sdelay $0x3  }
0x34: {  	[smem:$0x3F94] =	sst s10  }
0x35: {  	s10 =	sld [smem:$0x3F93];
	_ =	sdelay $0x3  }
0x36: {  	p1 =	seq.s32 s10, $0x1;
	s10 =	sld [smem:$0x3F94];
	_ =	sdelay $0x3  }
0x37: {  	[smem:$0x3F94] =	sst s10  }
0x38: {  	s10 =	sld [smem:$0x3F95]  }
0x39: {  	_ = 	snop;
	(pc) =	sbr.ind lr, $3  }
0x3a: {  	_ = 	snop  }
0x3b: {  	_ = 	snop  }
0x3c: {  	p2 =	seq.s32 s10, $0x1;
	s10 =	sld [smem:$0x3F94]  }
0x3d: {  	_ =	shalt  }
0x3e: {  	_ =	shalt  }
0x3f: {  	_ =	shalt  }
0x40: {  	_ =	shalt  }
0x41: {  	_ =	shalt  }
0x42: {  	_ =	shalt  }
0x43: {  	_ =	shalt  }
0x44: {  	_ =	shalt  }
0x45: {  	_ =	shalt  }
0x46: {  	_ =	shalt  }
0x47: {  	_ =	shalt  }
0x48: {  	_ =	shalt  }
0x49: {  	_ =	shalt  }
0x4a: {  	_ =	shalt  }
0x4b: {  	_ =	shalt  }
0x4c: {  	_ =	shalt  }
0x4d: {  	_ =	shalt  }
0x4e: {  	_ =	shalt  }
0x4f: {  	_ =	shalt  }
0x50: {  	_ =	shalt  }
0x51: {  	_ =	shalt  }
0x52: {  	_ =	shalt  }
0x53: {  	_ =	shalt  }
0x54: {  	_ =	shalt  }
0x55: {  	_ =	shalt  }
0x56: {  	_ =	shalt  }
0x57: {  	_ =	shalt  }
0x58: {  	_ =	shalt  }
0x59: {  	_ =	shalt  }
0x5a: {  	_ =	shalt  }
0x5b: {  	_ =	shalt  }
0x5c: {  	_ =	shalt  }
0x5d: {  	_ =	shalt  }
0x5e: {  	_ =	shalt  }
0x5f: {  	_ =	shalt  }
0x60: {  	_ =	shalt  }
0x61: {  	_ =	shalt  }
0x62: {  	_ =	shalt  }
0x63: {  	_ =	shalt  }
0x64: {  	_ =	shalt  }
0x65: {  	_ =	shalt  }
0x66: {  	_ =	shalt  }
0x67: {  	_ =	shalt  }
0x68: {  	_ =	shalt  }
0x69: {  	_ =	shalt  }
0x6a: {  	_ =	shalt  }
0x6b: {  	_ =	shalt  }
0x6c: {  	_ =	shalt  }
0x6d: {  	_ =	shalt  }
0x6e: {  	_ =	shalt  }
0x6f: {  	_ =	shalt  }
0x70: {  	_ =	shalt  }
0x71: {  	_ =	shalt  }
0x72: {  	_ =	shalt  }
0x73: {  	_ =	shalt  }
0x74: {  	_ =	shalt  }
0x75: {  	_ =	shalt  }
0x76: {  	_ =	shalt  }
0x77: {  	_ =	shalt  }
0x78: {  	_ =	shalt  }
0x79: {  	_ =	shalt  }
0x7a: {  	_ =	shalt  }
0x7b: {  	_ =	shalt  }
0x7c: {  	_ =	shalt  }
0x7d: {  	_ =	shalt  }
0x7e: {  	_ =	shalt  }
0x7f: {  	_ =	shalt  }
0x80: {  	_ =	shalt  }
0x81: {  	_ =	shalt  }
0x82: {  	_ =	shalt  }
0x83: {  	_ =	shalt  }
0x84: {  	_ =	shalt  }
0x85: {  	_ =	shalt  }
0x86: {  	_ =	shalt  }
0x87: {  	_ =	shalt  }
.Lfunc_end0:
.L_simem_size_0:
called_computation.1_lowered:
.L_overlay_start_0:
0x88: {  	s2 =	sld [smem:$0x3FD9]  }
0x89: {  	s3 =	sld [smem:$0x3FFE];
	_ =	sdelay $0x1  }
0x8a: {  	s1 =	srdreg.scid  }
0x8b: {  	s0 =	sand.u32 $0x1, s1  }
0x8c: {  	s16 =	sshll.u32 s0, $0xA;
	s2 =	sadd.s32 s3, s2  }
0x8d: {  	s2 =	sadd.s32 s2, s16  }
0x8e: {  	[smem:$0x3FA0] =	sst s2  }
0x8f: {  	_ = 	snop  }
0x90: {  	(tm) =	ssettm $0x1  }
0x91: {  	s17 =	sld [smem:$0x3FFB];
	_ =	sdelay $0x3  }
0x92: {  	_ =	strace s17  }
0x93: {  	s2 =	sld [smem:$0x3FFC];
	_ =	sdelay $0x3  }
0x94: {  	_ =	strace s2  }
0x95: {  	s2 =	sld [smem:$0x3FFD];
	_ =	sdelay $0x3  }
0x96: {  	_ =	strace s2  }
0x97: {  	_ =	strace $0x8FFFFFFF  }
0x98: {  	s18 =	sld [smem:$0x3FDB];
	_ =	sdelay $0x1  }
0x99: {  	s19 =	simm.s32 $_scs_section_size  }
0x9a: {  	s4 =	simm.s32 $_size__tile_overlayer_lowered;
	s5 =	simm.s32 $_tile_overlayer_lowered  }
0x9b: {  	s22 =	simm.s32 $0x1BFF;
	s21 =	sshll.u32 s5, $0x1;
	s2 =	sadd.s32 s19, s18  }
0x9c: {  	s6 =	simm.s32 $0x0;
	s20 =	sshll.u32 s4, $0x1;
	s4 =	sadd.s32 s21, s2  }
0x9d: {  	[timem:s6], [sflag:s22] =	dma.local [hbm:s4], s20  }
0x9e: {  	_ =	swait.ge [sflag:s22], s20  }
0x9f: {  	s3 =	ssub.s32 $0x0, s20;
	[sflag:s22] =	ssyncset.done $0x0  }
0xa0: {  	[sflag:s22] =	ssyncadd.s32 s3;
	_ =	sdelay $0x1  }
0xa1: {  	s23 =	simm.s32 $0x1B8B  }
0xa2: {  	_ =	swait.ge [sflag:s23], $0x1  }
0xa3: {  	[sflag:s23] =	ssyncset.done $0x0  }
0xa4: {  	s25 =	simm.s32 $0x1B8E;
	s24 =	sld [smem:$0x3FFE];
	[sflag:s23] =	ssyncadd.s32 $0xFFFFFFFF  }
0xa5: {  	s26 =	simm.s32 $execute0_lowered;
	[smem:$0x3FD2] =	sst s25  }
0xa6: {  	s4 =	sshll.u32 s26, $0x1;
	_ =	strace $0x8000004C;
	[dreg:$0x1] =	wrdreg $0xFFFFFFFF  }
0xa7: {  	s28 =	simm.s32 $_size_execute0_lowered;
	s2 =	sadd.s32 s2, s4;
	[dreg:$0x0] =	wrdreg $0x0  }
0xa8: {  	s4 =	sshll.u32 s28, $0x1;
	[dreg:$0x2] =	wrdreg s2  }
0xa9: {  	[dreg:$0x3] =	wrdreg s4  }
0xaa: {  	[dreg:$0x4] =	wrdreg $0xC0  }
0xab: {  	_ =	task [dreg:s6], $0x5FFFF  }
0xac: {  	[dreg:$0x1] =	wrdreg $0xFFFFFFFF  }
0xad: {  	[dreg:$0x0] =	wrdreg $0x60  }
0xae: {  	[dreg:$0x2] =	wrdreg s24  }
0xaf: {  	[dreg:$0x3] =	wrdreg $0x9  }
0xb0: {  	_ =	task.clear_ibuf [dreg:s6], $0x4FFFF;
	_ =	strace $0x9000004C  }
0xb1: {  	s29 =	simm.s32 $0x9;
	_ =	strace $0x8000004E  }
0xb2: {  	_ =	swait.ge [sflag:s29], $0x1  }
0xb3: {  	[sflag:s29] =	ssyncadd.s32 $0xFFFFFFFF  }
0xb4: {  	_ =	strace $0x9000004E  }
0xb5: {  	_ =	sfence  }
0xb6: {  	s30 =	sld [smem:$0x0];
	_ =	sdelay $0x2  }
0xb7: {  	s31 =	sshll.u32 s1, $0xD;
	s1 =	sshrl.u32 s1, $0x2  }
0xb8: {  	s3 =	sand.u32 $0x4000, s31;
	s1 =	sadd.s32 s1, s30  }
0xb9: {  	s0 =	sor.u32 s3, s0;
	s1 =	sshll.u32 s1, $0x11  }
0xba: {  	s0 =	sor.u32 s1, s0  }
0xbb: {  	s0 =	sadd.s32 $0x8F2B, s0  }
0xbc: {  	[sflag:s0] =	ssyncadd.remote.s32 $0x1  }
0xbd: {  	_ =	sfence.sel $0xFFFF  }
0xbe: {  	[dreg:$0x0] =	wrdreg $0xFFFFFFFF;
	(pc) =	sbr.abs _section_cstart, $3  }
0xbf: {  	[dreg:$0x1] =	wrdreg $0xFFFFFFFF  }
0xc0: {  	_ =	task.clear_ibuf [dreg:s6], $0x2FFFF;
	_ =	strace $0x9FFFFFFF  }
0xc1: {  	(tm) =	ssettm $0x7FFFFFFF  }
tec
execute0_lowered:
.L_overlay_start_1:
0x0: {  	(tag) =	ssettag $0x1  }
0x1: {  	s0 =	srdreg.scid  }
0x2: {  	s8 =	rddreg [dreg:$0x0];
	s1 =	stileid.u32;
	s5 =	simm.s32 $0x1  }
0x3: {  	s9 =	simm.s32 $0x1;
	s10 =	simm.s32 $0x3;
	s2 =	sshll.u32 s0, $0x5  }
0x4: {  	s13 =	simm.s32 $0x0;
	s3 =	sshll.u32 s1, $0x6;
	s2 =	sand.u32 $0x20, s2  }
0x5: {  	s12 =	simm.s32 $0x0;
	s0 =	rddreg [dreg:$0x1];
	s2 =	sor.u32 s3, s2  }
0x6: {  	_ =	strace $0x8000004D;
	s4 =	sadd.s32 $0x20000, s8;
	s7 =	ssub.s32 $0x800, s2  }
.Ltmp0:
0x7: {  	[sflag:s5] =	ssyncpa.u1 $0x0;
	s6 =	sand.u32 $0x3E0, s7;
	(pc) =	sbr.rel .LBB2_1-.Ltmp0, $4  }
0x8: {  	s3 =	sadd.s32 $0x44E400, s8;
	s8 =	sadd.s32 $0x44E800, s8;
	p0 =	sne.s32 s6, $0x0  }
0x9: {  	s7 =	sshrl.u32 s7, $0xA;
	s6 =	simm.s32 $0x2;
	s9 =	simm.s32 @!p0 $0x0  }
0xa: {  	s11 =	smov.u32 s2;
	[sflag:s6] =	ssyncpa.u1 $0x0;
	s7 =	sadd.s32 s9, s7  }
0xb: {  	vm0 =	vmmov $0xffff;
	[sflag:s10] =	ssyncpa.u1 $0x0;
	s10 =	simm.s32 $0x0;
	s9 =	sadd.s32 $0x1, s7  }
.LBB2_5:
0xc: {  	s15 =	sadd.s32 $0x400, s11  }
0xd: {  	p1 =	sgt.s32 s15, $0x7FF  }
0xe: {  	s15 =	smov.u32 @p1 s2;
	p1 =	sne.s32 s12, s9  }
.Ltmp1:
0xf: {  	p0 =	slt.u32 s12, $0x2;
	(pc) =	sbr.rel @!p1 .LBB2_6-.Ltmp1, $4  }
0x10: {  	s14 =	simm.s32 @!p0 $0x3  }
0x11: {  	_ =	swait.ge @!p0 [sflag:s14], $0x20  }
0x12: {  	s16 =	sadd.s32 $0x1, s12;
	s13 =	smov.u32 s11;
	[sflag:s14] =	ssyncset.done @!p0 $0x0  }
0x13: {  	s12 =	smov.u32 s16;
	s11 =	smov.u32 s15;
	[sflag:s14] =	ssyncadd.s32 @!p0 $0xFFFFFFE0  }
.LBB2_1:
0x14: {  	p0 =	sge.u32 s12, s7  }
0x15: {  	s14 =	sxor.u32 @!p0 $0xFFFFFFFF, s12  }
0x16: {  	s31 =	sadd.s32 $0xFFFFFFFF, s12;
	s15 =	sshrl.u32 @!p0 s11, $0x3;
	s14 =	sshll.u32 @!p0 s14, $0x5  }
0x17: {  	s16 =	sand.u32 @!p0 $0x7, s11;
	s15 =	sadd.s32 @!p0 s4, s15;
	s14 =	sand.u32 @!p0 $0x20, s14  }
0x18: {  	[tilespmem:s14], [sflag:$0x2] =	stream.linear.gather @!p0 [hbm4b:s15+s16], $0x20, $0x38;
	[tilespmem:$0x80] =	vst v63  }
0x19: {  	p0 =	sge.u32 s31, s7  }
.Ltmp2:
0x1a: {  	_ = 	snop;
	(pc) =	sbr.rel @p0 .LBB2_5-.Ltmp2, $1  }
0x1b: {  	_ =	sdelay $0x3  }
0x1c: {  	_ =	swait.ge [sflag:s6], $0x20;
	s14 =	sshll.u32 s12, $0x5;
	s16 =	simm.s32 $0x0  }
0x1d: {  	p0 =	por $0x1, $0x1;
	[sflag:s6] =	ssyncset.done $0x0;
	s15 =	sand.u32 $0x20, s14  }
0x1e: {  	[sflag:s6] =	ssyncadd.s32 $0xFFFFFFE0;
	(ifvalue) =	ssetifvalue $0x7FFFFFFF;
	s14 =	sor.u32 $0x40, s15  }
.LBB2_3:
0x1f: {  	s17 =	sadd.s32 s16, s15  }
0x20: {  	v0 =	vld.msk [tilespmem:s17+$0x0 ss:$0x1], $0xffff;
	_ =	sdelay $0x4  }
0x21: {  	v1 =	vshrl.u32 v0, $0x2  }
0x22: {  	vm1 =	veq.s32 v0, $0x80000000;
	v1 =	vand.u32 $0x7FF, v1  }
0x23: {  	v0 =	vand.u32 $0x3, v0;
	v1 =	vsel vm1, $0xFFFFFFFF, v1  }
0x24: {  	v0 =	vsel vm1, $0xFFFFFFFF, v0;
	v2 =	vshll.u32 v1, $0x2  }
0x25: {  	v3 =	vand.u32 $0xFFFFE000, v0;
	v0 =	vshll.u32 v0, $0x7;
	v2 =	vand.u32 $0xFFFFFE00, v2  }
0x26: {  	v0 =	vand.u32 $0x180, v0;
	v2 =	vadd.s32 v3, v2  }
0x27: {  	v1 =	vand.u32 $0x7F, v1;
	v0 =	vor.u32 v0, v2  }
0x28: {  	p1 =	por p0, p0;
	v0 =	vor.u32 v1, v0  }
.Ltmp3:
0x29: {  	_ = 	snop;
	(pc) =	sbr.rel @p1 .LBB2_3-.Ltmp3, $4  }
0x2a: {  	_ = 	snop  }
0x2b: {  	s31 =	sadd.s32 s16, s14  }
0x2c: {  	s16 =	simm.s32 $0x10;
	p0 =	por $0x0, $0x0;
	(ifvalue) =	ssetifvalue $0x7FFFFFFF  }
0x2d: {  	[tilespmem:s31], [sflag:$0x1] =	stream.indirect_vreg.gather [hbm4b:s3+s10], $0x1, v0, vm0, $0x4038;
	[tilespmem:$0x80] =	vst v63  }
.Ltmp4:
0x2e: {  	(pc) =	sbr.rel .LBB2_5-.Ltmp4, $4  }
0x2f: {  	_ =	swait.ge [sflag:s5], $0x20  }
0x30: {  	s15 =	sshrl.u32 s13, $0x3;
	[sflag:s5] =	ssyncset.done $0x0  }
0x31: {  	s31 =	sand.u32 $0x7, s13;
	s15 =	sadd.s32 s8, s15;
	[sflag:s5] =	ssyncadd.s32 $0xFFFFFFE0  }
0x32: {  	[hbm4b:s15+s31] =	stream.linear.scatter [tilespmem:s14], [sflag:$0x3], $0x20, $0x38;
	[tilespmem:$0x80] =	vst v63  }
.LBB2_6:
0x33: {  	_ =	sfence.sel $0x180000  }
0x34: {  	s2 =	simm.s32 $0x2;
	[bflag:$0x0] =	sbarrier.arrive $0xFFFF  }
0x35: {  	s30 =	simm.s32 $0x3;
	[sflag:s2] =	ssyncpa.u1 $0x1  }
0x36: {  	s31 =	simm.s32 $0x1;
	[sflag:s30] =	ssyncpa.u1 $0x1  }
0x37: {  	[sflag:s31] =	ssyncpa.u1 $0x1  }
0x38: {  	p0 =	sne.s32 s1, $0x0;
	_ =	strace $0x9000004D  }
0x39: {  	s0 =	sadd.s32 @!p0 $0x100000, s0;
	[bflag:$0x2] =	sbarrier.arrive $0xFFFF  }
0x3a: {  	[sflag:s0] =	ssyncadd.tile.s32 @!p0 $0x1;
	_ =	shalt  }
.Lfunc_end2:
_tile_overlayer_lowered:
.L_overlay_start_2:
0x3b: {  	(tag) =	ssettag $0x2  }
0x3c: {  	s0 =	rddreg [dreg:$0x0];
	s2 =	stileid.u32  }
0x3d: {  	s1 =	rddreg [dreg:$0x1];
	p0 =	sne.s32 s2, $0x0  }
0x3e: {  	s3 =	rddreg [dreg:$0x2];
	[bflag:$0x3] =	sbarrier.arrive $0xFFFF;
	s2 =	simm.s32 @!p0 $0x1C01  }
0x3f: {  	[timem:s3], [sflag:s2] =	dma.local @!p0 [hbm:s0], s1  }
0x40: {  	s0 =	simm.s32 @!p0 $0x1  }
0x41: {  	_ =	swait.ge @!p0 [sflag:s0], s1  }
0x42: {  	s1 =	ssub.s32 @!p0 $0x0, s1;
	[sflag:s0] =	ssyncset.done @!p0 $0x0  }
0x43: {  	[sflag:s0] =	ssyncadd.s32 @!p0 s1  }
0x44: {  	[bflag:$0x3] =	sbarrier.arrive $0xFFFF  }
0x45: {  	_ =	shalt  }

// kernel: sparse-core-data-format-call.cloned.1.call-start
scs
called_computation_lowered:
.L_overlay_start_0:
0x0: {  	s2 =	sld [smem:$0x3FD9]  }
0x1: {  	s3 =	sld [smem:$0x3FFE];
	_ =	sdelay $0x1  }
0x2: {  	s1 =	srdreg.scid  }
0x3: {  	s0 =	sand.u32 $0x1, s1  }
0x4: {  	s18 =	sshll.u32 s0, $0xA;
	s2 =	sadd.s32 s3, s2  }
0x5: {  	s2 =	sadd.s32 s2, s18  }
0x6: {  	[smem:$0x3FA0] =	sst s2  }
0x7: {  	_ = 	snop  }
0x8: {  	(tm) =	ssettm $0x1  }
0x9: {  	s19 =	sld [smem:$0x3FFB];
	_ =	sdelay $0x3  }
0xa: {  	_ =	strace s19  }
0xb: {  	s2 =	sld [smem:$0x3FFC];
	_ =	sdelay $0x3  }
0xc: {  	_ =	strace s2  }
0xd: {  	s2 =	sld [smem:$0x3FFD];
	_ =	sdelay $0x3  }
0xe: {  	_ =	strace s2  }
0xf: {  	_ =	strace $0x8FFFFFFF  }
0x10: {  	s20 =	sld [smem:$0x3FDB];
	_ =	sdelay $0x1  }
0x11: {  	s21 =	simm.s32 $_scs_section_size  }
0x12: {  	s4 =	simm.s32 $_size__tile_overlayer_lowered;
	s5 =	simm.s32 $_tile_overlayer_lowered  }
0x13: {  	s6 =	simm.s32 $0x1BFF;
	s22 =	sshll.u32 s5, $0x1;
	s3 =	sadd.s32 s21, s20  }
0x14: {  	s23 =	simm.s32 $0x0;
	s4 =	sshll.u32 s4, $0x1;
	s5 =	sadd.s32 s22, s3  }
0x15: {  	[timem:s23], [sflag:s6] =	dma.local [hbm:s5], s4  }
0x16: {  	_ =	swait.ge [sflag:s6], s4  }
0x17: {  	s4 =	ssub.s32 $0x0, s4;
	[sflag:s6] =	ssyncset.done $0x0  }
0x18: {  	[sflag:s6] =	ssyncadd.s32 s4;
	_ =	sdelay $0x1  }
0x19: {  	s24 =	simm.s32 $0x1B8B  }
0x1a: {  	_ =	swait.ge [sflag:s24], $0x1  }
0x1b: {  	[sflag:s24] =	ssyncset.done $0x0  }
0x1c: {  	[sflag:s24] =	ssyncadd.s32 $0xFFFFFFFF  }
0x1d: {  	s4 =	sld [smem:$0x0]  }
0x1e: {  	s5 =	sand.u32 $0xFFFFFFFE, s1  }
0x1f: {  	p0 =	sne.s32 s1, s5  }
0x20: {  	s5 =	sshll.u32 @p0 s5, $0xE  }
0x21: {  	s5 =	sadd.s32 @p0 $0x11B8D, s5;
	s6 =	sshll.u32 @p0 s4, $0x11  }
0x22: {  	s5 =	sor.u32 @p0 s6, s5  }
0x23: {  	[sflag:s5] =	ssyncadd.remote.s32 @p0 $0x1;
	_ =	sdelay $0x1  }
0x24: {  	s5 =	simm.s32 @p0 $0x1B8D  }
0x25: {  	_ =	swait.eq @p0 [sflag:s5], $0x1  }
0x26: {  	[sflag:s5] =	ssyncadd.s32 @p0 $0xFFFFFFFF  }
0x27: {  	s6 =	sshll.u32 @!p0 s1, $0xE  }
0x28: {  	s6 =	sor.u32 @!p0 $0x4000, s6;
	s5 =	simm.s32 @!p0 $0x1B8D  }
0x29: {  	s4 =	sshll.u32 @!p0 s4, $0x11;
	s6 =	sadd.s32 @!p0 $0x11B8D, s6;
	_ =	swait.eq @!p0 [sflag:s5], $0x1  }
0x2a: {  	s4 =	sor.u32 @!p0 s4, s6;
	[sflag:s5] =	ssyncadd.s32 @!p0 $0xFFFFFFFF  }
0x2b: {  	s26 =	simm.s32 $0x1B8E;
	s25 =	sld [smem:$0x3FFE];
	[sflag:s4] =	ssyncadd.remote.s32 @!p0 $0x1  }
0x2c: {  	s27 =	simm.s32 $execute0_lowered;
	[smem:$0x3FD2] =	sst s26  }
0x2d: {  	s5 =	sshll.u32 s27, $0x1;
	_ =	strace $0x80000049;
	[dreg:$0x1] =	wrdreg $0xFFFFFFFF  }
0x2e: {  	s28 =	simm.s32 $_size_execute0_lowered;
	s3 =	sadd.s32 s3, s5;
	[dreg:$0x0] =	wrdreg $0x0  }
0x2f: {  	s5 =	sshll.u32 s28, $0x1;
	[dreg:$0x2] =	wrdreg s3  }
0x30: {  	[dreg:$0x3] =	wrdreg s5  }
0x31: {  	[dreg:$0x4] =	wrdreg $0xC0  }
0x32: {  	_ =	task [dreg:s23], $0x5FFFF  }
0x33: {  	[dreg:$0x1] =	wrdreg $0xFFFFFFFF  }
0x34: {  	[dreg:$0x0] =	wrdreg $0x60  }
0x35: {  	[dreg:$0x2] =	wrdreg s25  }
0x36: {  	[dreg:$0x3] =	wrdreg $0x9  }
0x37: {  	_ =	task.clear_ibuf [dreg:s23], $0x4FFFF;
	_ =	strace $0x90000049  }
0x38: {  	s29 =	simm.s32 $0x9;
	_ =	strace $0x8000004B  }
0x39: {  	_ =	swait.ge [sflag:s29], $0x1  }
0x3a: {  	[sflag:s29] =	ssyncadd.s32 $0xFFFFFFFF  }
0x3b: {  	_ =	strace $0x9000004B  }
0x3c: {  	_ =	sfence  }
0x3d: {  	s30 =	sld [smem:$0x0];
	_ =	sdelay $0x2  }
0x3e: {  	s31 =	sshll.u32 s1, $0xD;
	s1 =	sshrl.u32 s1, $0x2  }
0x3f: {  	s4 =	sand.u32 $0x4000, s31;
	s1 =	sadd.s32 s1, s30  }
0x40: {  	s0 =	sor.u32 s4, s0;
	s1 =	sshll.u32 s1, $0x11  }
0x41: {  	s0 =	sor.u32 s1, s0  }
0x42: {  	s0 =	sadd.s32 $0x8F2B, s0  }
0x43: {  	[sflag:s0] =	ssyncadd.remote.s32 $0x1  }
0x44: {  	_ =	sfence.sel $0xFFFF  }
0x45: {  	[dreg:$0x0] =	wrdreg $0xFFFFFFFF;
	(pc) =	sbr.abs _section_cstart, $3  }
0x46: {  	[dreg:$0x1] =	wrdreg $0xFFFFFFFF  }
0x47: {  	_ =	task.clear_ibuf [dreg:s23], $0x2FFFF;
	_ =	strace $0x9FFFFFFF  }
0x48: {  	(tm) =	ssettm $0x7FFFFFFF  }
0x49: {  	_ =	shalt  }
tec
execute0_lowered:
.L_overlay_start_1:
0x0: {  	(tag) =	ssettag $0x1  }
0x1: {  	s0 =	stileid.u32;
	s1 =	srdreg.scid  }
0x2: {  	s4 =	rddreg [dreg:$0x0];
	s7 =	simm.s32 $0x1;
	s31 =	simm.s32 $0x2  }
0x3: {  	s16 =	simm.s32 $0x0;
	s2 =	sshll.u32 s0, $0x5;
	s1 =	sshll.u32 s1, $0x9  }
0x4: {  	s9 =	simm.s32 $0x4000;
	s14 =	simm.s32 $0x0;
	s1 =	sor.u32 s2, s1  }
0x5: {  	s15 =	simm.s32 $0x0;
	s10 =	simm.s32 $0x0;
	s2 =	sand.u32 $0x380, s1  }
0x6: {  	s13 =	simm.s32 $0x0;
	s3 =	sadd.s32 $0x28200, s4;
	s5 =	ssub.s32 $0x800, s2  }
0x7: {  	s4 =	sadd.s32 $0x228200, s4;
	s1 =	rddreg [dreg:$0x1];
	s6 =	sand.u32 $0x380, s5  }
.Ltmp0:
0x8: {  	_ =	strace $0x8000004A;
	p0 =	sne.s32 s6, $0x0;
	(pc) =	sbr.rel .LBB1_1-.Ltmp0, $4  }
0x9: {  	s11 =	smov.u32 s2;
	s8 =	sshrl.u32 s5, $0xA;
	s7 =	simm.s32 @!p0 $0x0  }
0xa: {  	s5 =	sand.u32 $0x3, s0;
	s6 =	simm.s32 $0x1;
	s7 =	sadd.s32 s7, s8  }
0xb: {  	s12 =	smov.u32 s5;
	[sflag:s6] =	ssyncpa.u1 $0x0;
	s7 =	sshll.u32 s7, $0x4  }
0xc: {  	p0 =	por $0x0, $0x0;
	[sflag:s31] =	ssyncpa.u1 $0x0;
	s8 =	sor.u32 $0x1, s7  }
.LBB1_4:
0xd: {  	v5 =	vld [tilespmem:s19+$0xFFFFFFD0]  }
0xe: {  	[tilespmem:s20+$0x2040 ss:$0x81] =	vst.msk $0xffff, v1;
	v58 =	vld [tilespmem:s19+$0xFFFFFFE0]  }
0xf: {  	[tilespmem:s20+$0x2850 ss:$0x81] =	vst.msk $0xffff, v2;
	v59 =	vld [tilespmem:s19+$0xFFFFFFF0]  }
0x10: {  	s21 =	sshra.s32 s21, $0x2;
	[tilespmem:s20+$0x3060 ss:$0x81] =	vst.msk $0xffff, v3;
	v60 =	vld [tilespmem:s19+$0x0]  }
0x11: {  	[tilespmem:s20+$0x0 ss:$0x81] =	vst.msk $0xffff, v0;
	v61 =	vld [tilespmem:s19+$0x10];
	s18 =	sadd.s32 s21, s18  }
0x12: {  	s26 =	sshll.u32 s16, $0xB;
	v62 =	vld [tilespmem:s19+$0x20];
	[tilespmem:s18+$0x3870 ss:$0x81] =	vst.msk $0xffff, v4  }
0x13: {  	s27 =	sand.u32 $0x78, s14;
	s22 =	sshll.u32 s14, $0x3;
	v63 =	vld [tilespmem:s19+$0xFFFFFFC0];
	s29 =	sshll.u32 s16, $0x7;
	[tilespmem:s18+$0x810 ss:$0x81] =	vst.msk $0xffff, v5  }
0x14: {  	s15 =	sshll.u32 s15, $0x13;
	s20 =	sand.u32 $0x3FC000, s26;
	s28 =	sand.u32 $0x3FFC00, s22;
	[tilespmem:s18+$0x1020 ss:$0x81] =	vst.msk $0xffff, v58  }
0x15: {  	s31 =	sand.u32 $0x7, s14;
	s22 =	sand.u32 $0x400, s22;
	s19 =	sadd.s32 s28, s20;
	[tilespmem:s18+$0x1830 ss:$0x81] =	vst.msk $0xffff, v59  }
0x16: {  	s16 =	sand.u32 $0x380, s29;
	s30 =	sor.u32 s27, s22;
	s19 =	sshrl.u32 s19, $0x3;
	[tilespmem:s18+$0x2040 ss:$0x81] =	vst.msk $0xffff, v60  }
0x17: {  	s15 =	sadd.s32 s4, s15;
	s16 =	sor.u32 s16, s30;
	s19 =	sand.u32 $0x7FF00, s19;
	[tilespmem:s18+$0x2850 ss:$0x81] =	vst.msk $0xffff, v61  }
0x18: {  	s14 =	sshll.u32 s31, $0x12;
	s16 =	sshrl.u32 s16, $0x3;
	[tilespmem:s18+$0x3060 ss:$0x81] =	vst.msk $0xffff, v62;
	s15 =	sadd.s32 s19, s15  }
0x19: {  	s14 =	sor.u32 $0x400, s14;
	[tilespmem:s18+$0x0 ss:$0x81] =	vst.msk $0xffff, v63;
	s15 =	sadd.s32 s16, s15  }
0x1a: {  	[hbm4b:s15+s14] =	stream.strided.scatter [tilespmem:s17], [sflag:$0x2], $0x4000, s9, s14, $0x20;
	[tilespmem:$0x10100] =	vst v63  }
.LBB1_5:
0x1b: {  	s17 =	sadd.s32 $0x80, s10  }
0x1c: {  	s14 =	sadd.s32 $0x400, s11;
	s18 =	smov.u32 s11;
	p2 =	sgt.s32 s17, $0x7FF  }
0x1d: {  	s18 =	smov.u32 @p2 s14  }
0x1e: {  	s20 =	smov.u32 s12;
	s14 =	sadd.s32 $0x4, s12;
	p3 =	sgt.s32 s18, $0x7FF  }
0x1f: {  	s20 =	smov.u32 @p3 s14  }
0x20: {  	s17 =	simm.s32 @p2 $0x0;
	p2 =	sgt.s32 s20, $0x3  }
0x21: {  	p1 =	slt.u32 s13, $0x2;
	s20 =	smov.u32 @p2 s5;
	p2 =	sne.s32 s13, s8  }
.Ltmp1:
0x22: {  	s19 =	simm.s32 @!p1 $0x2;
	(pc) =	sbr.rel @!p2 .LBB1_6-.Ltmp1, $4  }
0x23: {  	s16 =	smov.u32 s10;
	s15 =	smov.u32 s12;
	_ =	swait.ge @!p1 [sflag:s19], $0x4000  }
0x24: {  	p0 =	por !p0, !p0;
	[sflag:s19] =	ssyncset.done @!p1 $0x0;
	s10 =	smov.u32 s17  }
0x25: {  	s18 =	smov.u32 @p3 s2;
	s14 =	smov.u32 s11;
	[sflag:s19] =	ssyncadd.s32 @!p1 $0xFFFFC000  }
0x26: {  	s11 =	smov.u32 s18;
	s13 =	sadd.s32 $0x1, s13;
	s12 =	smov.u32 s20  }
.LBB1_1:
0x27: {  	p1 =	sge.u32 s13, s7;
	s31 =	sadd.s32 $0xFFFFFFFF, s13  }
0x28: {  	s17 =	sxor.u32 @!p1 $0xFFFFFFFF, s13;
	s18 =	sand.u32 @!p1 $0x78, s10;
	s19 =	sshll.u32 @!p1 s11, $0xB  }
0x29: {  	s20 =	sshll.u32 @!p1 s11, $0x7;
	s21 =	sshll.u32 @!p1 s10, $0x3;
	s17 =	sshll.u32 @!p1 s17, $0xE  }
0x2a: {  	s19 =	sand.u32 @!p1 $0x3FC000, s19;
	s20 =	sand.u32 @!p1 $0x380, s20;
	s17 =	sand.u32 @!p1 $0x4000, s17  }
0x2b: {  	s19 =	sadd.s32 @!p1 s19, s21;
	s21 =	sand.u32 @!p1 $0x400, s21;
	s18 =	sor.u32 @!p1 s20, s18  }
0x2c: {  	s20 =	sshll.u32 @!p1 s12, $0x13;
	s18 =	sor.u32 @!p1 s21, s18;
	s19 =	sshrl.u32 @!p1 s19, $0x3  }
0x2d: {  	s20 =	sadd.s32 @!p1 s3, s20;
	s21 =	sand.u32 @!p1 $0x7, s10;
	s19 =	sand.u32 @!p1 $0x7FF00, s19  }
0x2e: {  	s18 =	sshrl.u32 @!p1 s18, $0x3;
	s19 =	sadd.s32 @!p1 s19, s20;
	s20 =	sshll.u32 @!p1 s21, $0x12  }
0x2f: {  	s18 =	sadd.s32 @!p1 s18, s19;
	s19 =	sor.u32 @!p1 $0x400, s20;
	s20 =	simm.s32 @!p1 $0x4000  }
0x30: {  	[tilespmem:s17], [sflag:$0x1] =	stream.strided.gather @!p1 [hbm4b:s18+s19], $0x4000, s20, s19, $0x38;
	[tilespmem:$0x10100] =	vst v63  }
0x31: {  	p1 =	sge.u32 s31, s7  }
.Ltmp2:
0x32: {  	_ = 	snop;
	(pc) =	sbr.rel @p1 .LBB1_5-.Ltmp2, $1  }
0x33: {  	_ =	sdelay $0x3  }
0x34: {  	s17 =	simm.s32 $0x1  }
0x35: {  	_ =	swait.ge [sflag:s6], $0x4000;
	s17 =	simm.s32 @!p0 $0x0  }
0x36: {  	[sflag:s6] =	ssyncset.done $0x0;
	s18 =	sshll.u32 s17, $0xE  }
0x37: {  	[sflag:s6] =	ssyncadd.s32 $0xFFFFC000;
	s19 =	sor.u32 $0x40, s18  }
0x38: {  	s17 =	smul.u32 $0x10200, s17;
	v0 =	vld [tilespmem:s19+$0x30]  }
0x39: {  	v3 =	vld [tilespmem:s19+$0xFFFFFFD0]  }
0x3a: {  	s17 =	sshrl.u32 s17, $0x2;
	v4 =	vld [tilespmem:s19+$0xFFFFFFE0]  }
0x3b: {  	v5 =	vld [tilespmem:s19+$0xFFFFFFF0];
	s18 =	sor.u32 $0x8000, s17  }
0x3c: {  	s31 =	sand.u32 $0x1, s13;
	v1 =	vld [tilespmem:s19+$0x0];
	s20 =	sadd.s32 $0x0, s18  }
0x3d: {  	v2 =	vld [tilespmem:s19+$0x10];
	s17 =	smul.u32 $0x10200, s31;
	[tilespmem:s20+$0x3870 ss:$0x81] =	vst.msk $0xffff, v0  }
0x3e: {  	[tilespmem:s20+$0x810 ss:$0x81] =	vst.msk $0xffff, v3;
	v3 =	vld [tilespmem:s19+$0x20]  }
0x3f: {  	s17 =	sshrl.u32 s17, $0x2;
	v0 =	vld [tilespmem:s19+$0xFFFFFFC0];
	[tilespmem:s20+$0x1020 ss:$0x81] =	vst.msk $0xffff, v4;
	s19 =	sadd.s32 $0x80, s19  }
0x40: {  	s21 =	simm.s32 $0x4;
	s22 =	simm.s32 $0x8;
	s17 =	sor.u32 $0x8000, s17;
	[tilespmem:s20+$0x1830 ss:$0x81] =	vst.msk $0xffff, v5;
	v4 =	vld [tilespmem:s19+$0x30]  }
.LBB1_3:
0x41: {  	p1 =	sne.s32 s22, $0x1FC;
	v5 =	vld [tilespmem:s19+$0xFFFFFFD0];
	[tilespmem:s20+$0x2040 ss:$0x81] =	vst.msk $0xffff, v1  }
0x42: {  	v6 =	vld [tilespmem:s19+$0xFFFFFFE0];
	[tilespmem:s20+$0x2850 ss:$0x81] =	vst.msk $0xffff, v2  }
0x43: {  	s23 =	sshra.s32 s21, $0x2;
	s21 =	smov.u32 s22;
	v7 =	vld [tilespmem:s19+$0xFFFFFFF0];
	[tilespmem:s20+$0x3060 ss:$0x81] =	vst.msk $0xffff, v3  }
.Ltmp3:
0x44: {  	v1 =	vld [tilespmem:s19+$0x0];
	[tilespmem:s20+$0x0 ss:$0x81] =	vst.msk $0xffff, v0;
	s20 =	sadd.s32 s23, s18;
	(pc) =	sbr.rel @p1 .LBB1_3-.Ltmp3, $4  }
0x45: {  	v2 =	vld [tilespmem:s19+$0x10];
	[tilespmem:s20+$0x3870 ss:$0x81] =	vst.msk $0xffff, v4  }
0x46: {  	[tilespmem:s20+$0x810 ss:$0x81] =	vst.msk $0xffff, v5;
	v3 =	vld [tilespmem:s19+$0x20]  }
0x47: {  	v0 =	vld [tilespmem:s19+$0xFFFFFFC0];
	[tilespmem:s20+$0x1020 ss:$0x81] =	vst.msk $0xffff, v6;
	s19 =	sadd.s32 $0x80, s19  }
0x48: {  	s22 =	sadd.s32 $0x4, s22;
	v4 =	vld [tilespmem:s19+$0x30];
	[tilespmem:s20+$0x1830 ss:$0x81] =	vst.msk $0xffff, v7  }
.Ltmp4:
0x49: {  	_ = 	snop;
	(pc) =	sbr.rel .LBB1_4-.Ltmp4, $1  }
0x4a: {  	_ =	sdelay $0x3  }
.LBB1_6:
0x4b: {  	_ =	sfence.sel $0x180000  }
0x4c: {  	s2 =	simm.s32 $0x1;
	[bflag:$0x0] =	sbarrier.arrive $0xFFFF  }
0x4d: {  	s31 =	simm.s32 $0x2;
	[sflag:s2] =	ssyncpa.u1 $0x1  }
0x4e: {  	[sflag:s31] =	ssyncpa.u1 $0x1  }
0x4f: {  	p0 =	sne.s32 s0, $0x0;
	_ =	strace $0x9000004A  }
0x50: {  	s0 =	sadd.s32 @!p0 $0x100000, s1;
	[bflag:$0x2] =	sbarrier.arrive $0xFFFF  }
0x51: {  	[sflag:s0] =	ssyncadd.tile.s32 @!p0 $0x1;
	_ =	shalt  }
.Lfunc_end1:
_tile_overlayer_lowered:
.L_overlay_start_2:
0x52: {  	(tag) =	ssettag $0x2  }
0x53: {  	s0 =	rddreg [dreg:$0x0];
	s2 =	stileid.u32  }
0x54: {  	s1 =	rddreg [dreg:$0x1];
	p0 =	sne.s32 s2, $0x0  }
0x55: {  	s3 =	rddreg [dreg:$0x2];
	[bflag:$0x3] =	sbarrier.arrive $0xFFFF;
	s2 =	simm.s32 @!p0 $0x1C01  }
0x56: {  	[timem:s3], [sflag:s2] =	dma.local @!p0 [hbm:s0], s1  }
0x57: {  	s0 =	simm.s32 @!p0 $0x1  }
0x58: {  	_ =	swait.ge @!p0 [sflag:s0], s1  }
0x59: {  	s1 =	ssub.s32 @!p0 $0x0, s1;
	[sflag:s0] =	ssyncset.done @!p0 $0x0  }
0x5a: {  	[sflag:s0] =	ssyncadd.s32 @!p0 s1  }
0x5b: {  	[bflag:$0x3] =	sbarrier.arrive $0xFFFF  }
0x5c: {  	_ =	shalt  }

</sc_bundles>
